<compile_context>
chip_gen: v7x
topology: tpu7x:2x2x1
jax: 0.10.2.dev20260603
libtpu: 0.0.44.dev20260713+nightly
codegen_flags: <defaults>
</compile_context>

<pallas_src>
import functools

import jax
import jax.numpy as jnp
from jax import lax
from jax.experimental import pallas as pl
from jax.experimental.pallas import tpu as pltpu
from jax.experimental.pallas import tpu_sc as plsc

BATCH = 16384
VALUE_RANGE = 8.0
A_RANGE = 3.0
DCONST = 1.702

_info = plsc.get_sparse_core_info()
_NC, _NS, _L = _info.num_cores, _info.num_subcores, _info.num_lanes
_NW = _NC * _NS
_CHUNK = BATCH // _NW


_NQ = 2
_QUARTER = _CHUNK // _NQ
_SCALE = DCONST * A_RANGE * VALUE_RANGE


def _body(user_h, item_h, th_h, a_h, b_h, c_h, out_h,
          uidx, iidx, thv, av, bv, cv, outv, semi, semg, semo):
    wid = lax.axis_index("s") * _NC + lax.axis_index("c")
    base = wid * _CHUNK
    cpu = pltpu.async_copy(user_h.at[pl.ds(base, _CHUNK)], uidx, semi)
    cpi = pltpu.async_copy(item_h.at[pl.ds(base, _CHUNK)], iidx, semi)

    def fire_theta(lo, sem):
        s = pl.ds(lo, _QUARTER)
        return pltpu.async_copy(th_h.at[0].at[uidx.at[s]], thv.at[s], sem)

    def fire_items(lo, sem):
        s = pl.ds(lo, _QUARTER)
        return [
            pltpu.async_copy(a_h.at[0].at[iidx.at[s]], av.at[s], sem),
            pltpu.async_copy(b_h.at[0].at[iidx.at[s]], bv.at[s], sem),
            pltpu.async_copy(c_h.at[0].at[iidx.at[s]], cv.at[s], sem),
        ]

    cpu.wait()
    gth = [fire_theta(q * _QUARTER, semg[q]) for q in range(_NQ)]
    cpi.wait()
    gs = [[gth[q]] + fire_items(q * _QUARTER, semg[q]) for q in range(_NQ)]

    def step(i, carry):
        s = pl.ds(i * _L, _L)
        et = jnp.exp(-thv[s])
        eb = jnp.exp(-bv[s])
        ea = jnp.exp(-av[s])
        ec = jnp.exp(-cv[s])
        z = _SCALE * (eb - et) / ((1.0 + ea) * ((1.0 + et) * (1.0 + eb)))
        w = jnp.exp(-z)
        outv[s] = (1.0 + w + ec) / ((1.0 + w) * (1.0 + ec))
        return carry

    nsteps = _QUARTER // _L
    ocs = []
    for q in range(_NQ):
        for cp in gs[q]:
            cp.wait()
        lax.fori_loop(q * nsteps, (q + 1) * nsteps, step, 0, unroll=1)
        ocs.append(pltpu.async_copy(
            outv.at[pl.ds(q * _QUARTER, _QUARTER)],
            out_h.at[pl.ds(base + q * _QUARTER, _QUARTER)], semo))
    for cp in ocs:
        cp.wait()


@jax.jit
def kernel(user, item, theta_w, a_w, b_w, c_w):
    run = pl.kernel(
        _body,
        out_type=jax.ShapeDtypeStruct((BATCH,), jnp.float32),
        mesh=plsc.VectorSubcoreMesh(core_axis_name="c", subcore_axis_name="s"),
        scratch_types=[
            pltpu.VMEM((_CHUNK,), jnp.int32),
            pltpu.VMEM((_CHUNK,), jnp.int32),
            pltpu.VMEM((_CHUNK,), jnp.float32),
            pltpu.VMEM((_CHUNK,), jnp.float32),
            pltpu.VMEM((_CHUNK,), jnp.float32),
            pltpu.VMEM((_CHUNK,), jnp.float32),
            pltpu.VMEM((_CHUNK,), jnp.float32),
            pltpu.SemaphoreType.DMA,
            [pltpu.SemaphoreType.DMA] * _NQ,
            pltpu.SemaphoreType.DMA,
        ],
    )
    return run(
        user.astype(jnp.int32),
        item.astype(jnp.int32),
        theta_w.reshape(1, -1),
        a_w.reshape(1, -1),
        b_w.reshape(1, -1),
        c_w.reshape(1, -1),
    )

# --- scband reference (transcript-rebuilt; emitter-appended) ---
"""Pipeline reference for scband-irtnet-36807869727032 (READ-ONLY COPY).

The authoritative reference and input builder live on the scoring server;
editing this copy changes nothing except your own understanding.
"""

import jax, jax.numpy as jnp
import numpy as np

NUSER = 1000000
NITEM = 100000
BATCH = 16384
VALUE_RANGE = 8.0
A_RANGE = 3.0
D = 1.702


def setup_inputs(seed: int = 0) -> dict:
    key = jax.random.key(seed)
    k_user, k_item, k_theta, k_a, k_b, k_c = jax.random.split(key, 6)
    user = jax.random.randint(k_user, (BATCH,), 0, NUSER, dtype=jnp.int64 if jax.config.jax_enable_x64 else jnp.int32)
    item = jax.random.randint(k_item, (BATCH,), 0, NITEM, dtype=jnp.int64 if jax.config.jax_enable_x64 else jnp.int32)
    theta_w = jax.random.normal(k_theta, (NUSER, 1), dtype=jnp.float32)
    a_w = jax.random.normal(k_a, (NITEM, 1), dtype=jnp.float32)
    b_w = jax.random.normal(k_b, (NITEM, 1), dtype=jnp.float32)
    c_w = jax.random.normal(k_c, (NITEM, 1), dtype=jnp.float32)
    return {"user": user, "item": item, "theta_w": theta_w, "a_w": a_w, "b_w": b_w, "c_w": c_w}


def irt3pl(theta, b, c, a):
    # standard 3-parameter logistic item response function (D = 1.702)
    return c + (1.0 - c) / (1.0 + jnp.exp(-D * a * (theta - b)))


def reference(user, item, theta_w, a_w, b_w, c_w):
    theta = jnp.squeeze(jnp.take(theta_w, user, axis=0), -1)
    a = jnp.squeeze(jnp.take(a_w, item, axis=0), -1)
    b = jnp.squeeze(jnp.take(b_w, item, axis=0), -1)
    c = jnp.squeeze(jnp.take(c_w, item, axis=0), -1)
    c = jax.nn.sigmoid(c)
    # value_range is truthy (8)
    theta = VALUE_RANGE * (jax.nn.sigmoid(theta) - 0.5)
    b = VALUE_RANGE * (jax.nn.sigmoid(b) - 0.5)
    # a_range is truthy (3)
    a = A_RANGE * jax.nn.sigmoid(a)
    return irt3pl(theta, b, c, a)

if __name__ == "__main__":
    import jax
    _d = setup_inputs()
    print(jax.jit(kernel)(*tuple(_d.values())))

</pallas_src>

<mosaic_0001>
#map = affine_map<(d0, d1) -> (0)>
#map1 = affine_map<(d0, d1) -> (0, 0)>
module attributes {stable_mosaic.version = 14 : i64} {
  func.func @_body(%arg0: i32, %arg1: i32, %arg2: memref<16384xi32, #tpu.memory_space<hbm>>, %arg3: memref<16384xi32, #tpu.memory_space<hbm>>, %arg4: memref<1x1000000xf32, #tpu.memory_space<hbm>>, %arg5: memref<1x100000xf32, #tpu.memory_space<hbm>>, %arg6: memref<1x100000xf32, #tpu.memory_space<hbm>>, %arg7: memref<1x100000xf32, #tpu.memory_space<hbm>>, %arg8: memref<16384xf32, #tpu.memory_space<hbm>>, %arg9: memref<512xi32, #tpu.memory_space<vmem>>, %arg10: memref<512xi32, #tpu.memory_space<vmem>>, %arg11: memref<512xf32, #tpu.memory_space<vmem>>, %arg12: memref<512xf32, #tpu.memory_space<vmem>>, %arg13: memref<512xf32, #tpu.memory_space<vmem>>, %arg14: memref<512xf32, #tpu.memory_space<vmem>>, %arg15: memref<512xf32, #tpu.memory_space<vmem>>, %arg16: memref<!tpu.dma_semaphore, #tpu.memory_space<semaphore_mem>>, %arg17: memref<!tpu.dma_semaphore, #tpu.memory_space<semaphore_mem>>, %arg18: memref<!tpu.dma_semaphore, #tpu.memory_space<semaphore_mem>>, %arg19: memref<!tpu.dma_semaphore, #tpu.memory_space<semaphore_mem>>) attributes {dimension_semantics = [#tpu.dimension_semantics<core_parallel>, #tpu.dimension_semantics<subcore_parallel>], iteration_bounds = array<i64: 2, 16>, scalar_prefetch = 0 : i64, scratch_operands = 11 : i64, tpu.core_type = #tpu.core_type<sc_vector_subcore>, window_params = [{transform_indices = #map}, {transform_indices = #map}, {transform_indices = #map1}, {transform_indices = #map1}, {transform_indices = #map1}, {transform_indices = #map1}, {transform_indices = #map}]} {
    %mul3A = arith.constant 2 : i32
    %mul3A_0 = arith.muli %arg1, %mul3A : i32
    %add3A = arith.addi %mul3A_0, %arg0 : i32
    %mul3A_1 = arith.constant 512 : i32
    %mul3A_2 = arith.muli %add3A, %mul3A_1 : i32
    %dma_start3A = tpu.memref_slice %arg2[%mul3A_2] : memref<16384xi32, #tpu.memory_space<hbm>> -> memref<512xi32, #tpu.memory_space<hbm>>
    %dma_start3A_3 = tpu.memref_slice %arg2[%mul3A_2] : memref<16384xi32, #tpu.memory_space<hbm>> -> memref<512xi32, #tpu.memory_space<hbm>>
    tpu.enqueue_dma source(%dma_start3A_3 : memref<512xi32, #tpu.memory_space<hbm>>) target(%arg9 : memref<512xi32, #tpu.memory_space<vmem>>) target_semaphore(%arg16 : memref<!tpu.dma_semaphore, #tpu.memory_space<semaphore_mem>>)
    %dma_start3A_4 = tpu.memref_slice %arg3[%mul3A_2] : memref<16384xi32, #tpu.memory_space<hbm>> -> memref<512xi32, #tpu.memory_space<hbm>>
    %dma_start3A_5 = tpu.memref_slice %arg3[%mul3A_2] : memref<16384xi32, #tpu.memory_space<hbm>> -> memref<512xi32, #tpu.memory_space<hbm>>
    tpu.enqueue_dma source(%dma_start3A_5 : memref<512xi32, #tpu.memory_space<hbm>>) target(%arg10 : memref<512xi32, #tpu.memory_space<vmem>>) target_semaphore(%arg16 : memref<!tpu.dma_semaphore, #tpu.memory_space<semaphore_mem>>)
    %dma_wait3A = tpu.memref_slice %arg2[%mul3A_2] : memref<16384xi32, #tpu.memory_space<hbm>> -> memref<512xi32, #tpu.memory_space<hbm>>
    %dma_wait3A_6 = tpu.memref_slice %arg2[%mul3A_2] : memref<16384xi32, #tpu.memory_space<hbm>> -> memref<512xi32, #tpu.memory_space<hbm>>
    tpu.wait_dma2 semaphore(%arg16 : memref<!tpu.dma_semaphore, #tpu.memory_space<semaphore_mem>>) src(%dma_wait3A_6 : memref<512xi32, #tpu.memory_space<hbm>>) dst(%arg9 : memref<512xi32, #tpu.memory_space<vmem>>)
    %dma_start3A_7 = arith.constant 0 : i32
    %dma_start3A_8 = arith.constant 0 : i32
    %dma_start3A_9 = tpu.memref_slice %arg11[%dma_start3A_8] : memref<512xf32, #tpu.memory_space<vmem>> -> memref<256xf32, #tpu.memory_space<vmem>>
    %dma_start3A_10 = arith.constant 0 : i32
    %dma_start3A_11 = tpu.memref_slice %arg9[%dma_start3A_10] : memref<512xi32, #tpu.memory_space<vmem>> -> memref<256xi32, #tpu.memory_space<vmem>>
    %dma_start3A_12 = arith.constant 0 : i32
    %dma_start3A_13 = tpu.memref_slice %arg4[%dma_start3A_7, %dma_start3A_12] : memref<1x1000000xf32, #tpu.memory_space<hbm>> -> memref<1x1000000xf32, #tpu.memory_space<hbm>>
    %dma_start3A_14 = tpu.memref_squeeze %dma_start3A_13 : memref<1x1000000xf32, #tpu.memory_space<hbm>> -> memref<1000000xf32, #tpu.memory_space<hbm>>
    %dma_start3A_15 = arith.constant 0 : i32
    %dma_start3A_16 = tpu.memref_slice %dma_start3A_14[%dma_start3A_15] : memref<1000000xf32, #tpu.memory_space<hbm>> -> memref<1000000xf32, #tpu.memory_space<hbm>>
    tpu.enqueue_indirect_dma source(%dma_start3A_16 : memref<1000000xf32, #tpu.memory_space<hbm>>) target(%dma_start3A_9 : memref<256xf32, #tpu.memory_space<vmem>>) offsets(%dma_start3A_11 : memref<256xi32, #tpu.memory_space<vmem>>) semaphore(%arg17 : memref<!tpu.dma_semaphore, #tpu.memory_space<semaphore_mem>>)
    %dma_start3A_17 = arith.constant 0 : i32
    %dma_start3A_18 = arith.constant 256 : i32
    %dma_start3A_19 = tpu.memref_slice %arg11[%dma_start3A_18] : memref<512xf32, #tpu.memory_space<vmem>> -> memref<256xf32, #tpu.memory_space<vmem>>
    %dma_start3A_20 = arith.constant 256 : i32
    %dma_start3A_21 = tpu.memref_slice %arg9[%dma_start3A_20] : memref<512xi32, #tpu.memory_space<vmem>> -> memref<256xi32, #tpu.memory_space<vmem>>
    %dma_start3A_22 = arith.constant 0 : i32
    %dma_start3A_23 = tpu.memref_slice %arg4[%dma_start3A_17, %dma_start3A_22] : memref<1x1000000xf32, #tpu.memory_space<hbm>> -> memref<1x1000000xf32, #tpu.memory_space<hbm>>
    %dma_start3A_24 = tpu.memref_squeeze %dma_start3A_23 : memref<1x1000000xf32, #tpu.memory_space<hbm>> -> memref<1000000xf32, #tpu.memory_space<hbm>>
    %dma_start3A_25 = arith.constant 0 : i32
    %dma_start3A_26 = tpu.memref_slice %dma_start3A_24[%dma_start3A_25] : memref<1000000xf32, #tpu.memory_space<hbm>> -> memref<1000000xf32, #tpu.memory_space<hbm>>
    tpu.enqueue_indirect_dma source(%dma_start3A_26 : memref<1000000xf32, #tpu.memory_space<hbm>>) target(%dma_start3A_19 : memref<256xf32, #tpu.memory_space<vmem>>) offsets(%dma_start3A_21 : memref<256xi32, #tpu.memory_space<vmem>>) semaphore(%arg18 : memref<!tpu.dma_semaphore, #tpu.memory_space<semaphore_mem>>)
    %dma_wait3A_27 = tpu.memref_slice %arg3[%mul3A_2] : memref<16384xi32, #tpu.memory_space<hbm>> -> memref<512xi32, #tpu.memory_space<hbm>>
    %dma_wait3A_28 = tpu.memref_slice %arg3[%mul3A_2] : memref<16384xi32, #tpu.memory_space<hbm>> -> memref<512xi32, #tpu.memory_space<hbm>>
    tpu.wait_dma2 semaphore(%arg16 : memref<!tpu.dma_semaphore, #tpu.memory_space<semaphore_mem>>) src(%dma_wait3A_28 : memref<512xi32, #tpu.memory_space<hbm>>) dst(%arg10 : memref<512xi32, #tpu.memory_space<vmem>>)
    %dma_start3A_29 = arith.constant 0 : i32
    %dma_start3A_30 = arith.constant 0 : i32
    %dma_start3A_31 = tpu.memref_slice %arg12[%dma_start3A_30] : memref<512xf32, #tpu.memory_space<vmem>> -> memref<256xf32, #tpu.memory_space<vmem>>
    %dma_start3A_32 = arith.constant 0 : i32
    %dma_start3A_33 = tpu.memref_slice %arg10[%dma_start3A_32] : memref<512xi32, #tpu.memory_space<vmem>> -> memref<256xi32, #tpu.memory_space<vmem>>
    %dma_start3A_34 = arith.constant 0 : i32
    %dma_start3A_35 = tpu.memref_slice %arg5[%dma_start3A_29, %dma_start3A_34] : memref<1x100000xf32, #tpu.memory_space<hbm>> -> memref<1x100000xf32, #tpu.memory_space<hbm>>
    %dma_start3A_36 = tpu.memref_squeeze %dma_start3A_35 : memref<1x100000xf32, #tpu.memory_space<hbm>> -> memref<100000xf32, #tpu.memory_space<hbm>>
    %dma_start3A_37 = arith.constant 0 : i32
    %dma_start3A_38 = tpu.memref_slice %dma_start3A_36[%dma_start3A_37] : memref<100000xf32, #tpu.memory_space<hbm>> -> memref<100000xf32, #tpu.memory_space<hbm>>
    tpu.enqueue_indirect_dma source(%dma_start3A_38 : memref<100000xf32, #tpu.memory_space<hbm>>) target(%dma_start3A_31 : memref<256xf32, #tpu.memory_space<vmem>>) offsets(%dma_start3A_33 : memref<256xi32, #tpu.memory_space<vmem>>) semaphore(%arg17 : memref<!tpu.dma_semaphore, #tpu.memory_space<semaphore_mem>>)
    %dma_start3A_39 = arith.constant 0 : i32
    %dma_start3A_40 = arith.constant 0 : i32
    %dma_start3A_41 = tpu.memref_slice %arg13[%dma_start3A_40] : memref<512xf32, #tpu.memory_space<vmem>> -> memref<256xf32, #tpu.memory_space<vmem>>
    %dma_start3A_42 = arith.constant 0 : i32
    %dma_start3A_43 = tpu.memref_slice %arg10[%dma_start3A_42] : memref<512xi32, #tpu.memory_space<vmem>> -> memref<256xi32, #tpu.memory_space<vmem>>
    %dma_start3A_44 = arith.constant 0 : i32
    %dma_start3A_45 = tpu.memref_slice %arg6[%dma_start3A_39, %dma_start3A_44] : memref<1x100000xf32, #tpu.memory_space<hbm>> -> memref<1x100000xf32, #tpu.memory_space<hbm>>
    %dma_start3A_46 = tpu.memref_squeeze %dma_start3A_45 : memref<1x100000xf32, #tpu.memory_space<hbm>> -> memref<100000xf32, #tpu.memory_space<hbm>>
    %dma_start3A_47 = arith.constant 0 : i32
    %dma_start3A_48 = tpu.memref_slice %dma_start3A_46[%dma_start3A_47] : memref<100000xf32, #tpu.memory_space<hbm>> -> memref<100000xf32, #tpu.memory_space<hbm>>
    tpu.enqueue_indirect_dma source(%dma_start3A_48 : memref<100000xf32, #tpu.memory_space<hbm>>) target(%dma_start3A_41 : memref<256xf32, #tpu.memory_space<vmem>>) offsets(%dma_start3A_43 : memref<256xi32, #tpu.memory_space<vmem>>) semaphore(%arg17 : memref<!tpu.dma_semaphore, #tpu.memory_space<semaphore_mem>>)
    %dma_start3A_49 = arith.constant 0 : i32
    %dma_start3A_50 = arith.constant 0 : i32
    %dma_start3A_51 = tpu.memref_slice %arg14[%dma_start3A_50] : memref<512xf32, #tpu.memory_space<vmem>> -> memref<256xf32, #tpu.memory_space<vmem>>
    %dma_start3A_52 = arith.constant 0 : i32
    %dma_start3A_53 = tpu.memref_slice %arg10[%dma_start3A_52] : memref<512xi32, #tpu.memory_space<vmem>> -> memref<256xi32, #tpu.memory_space<vmem>>
    %dma_start3A_54 = arith.constant 0 : i32
    %dma_start3A_55 = tpu.memref_slice %arg7[%dma_start3A_49, %dma_start3A_54] : memref<1x100000xf32, #tpu.memory_space<hbm>> -> memref<1x100000xf32, #tpu.memory_space<hbm>>
    %dma_start3A_56 = tpu.memref_squeeze %dma_start3A_55 : memref<1x100000xf32, #tpu.memory_space<hbm>> -> memref<100000xf32, #tpu.memory_space<hbm>>
    %dma_start3A_57 = arith.constant 0 : i32
    %dma_start3A_58 = tpu.memref_slice %dma_start3A_56[%dma_start3A_57] : memref<100000xf32, #tpu.memory_space<hbm>> -> memref<100000xf32, #tpu.memory_space<hbm>>
    tpu.enqueue_indirect_dma source(%dma_start3A_58 : memref<100000xf32, #tpu.memory_space<hbm>>) target(%dma_start3A_51 : memref<256xf32, #tpu.memory_space<vmem>>) offsets(%dma_start3A_53 : memref<256xi32, #tpu.memory_space<vmem>>) semaphore(%arg17 : memref<!tpu.dma_semaphore, #tpu.memory_space<semaphore_mem>>)
    %dma_start3A_59 = arith.constant 0 : i32
    %dma_start3A_60 = arith.constant 256 : i32
    %dma_start3A_61 = tpu.memref_slice %arg12[%dma_start3A_60] : memref<512xf32, #tpu.memory_space<vmem>> -> memref<256xf32, #tpu.memory_space<vmem>>
    %dma_start3A_62 = arith.constant 256 : i32
    %dma_start3A_63 = tpu.memref_slice %arg10[%dma_start3A_62] : memref<512xi32, #tpu.memory_space<vmem>> -> memref<256xi32, #tpu.memory_space<vmem>>
    %dma_start3A_64 = arith.constant 0 : i32
    %dma_start3A_65 = tpu.memref_slice %arg5[%dma_start3A_59, %dma_start3A_64] : memref<1x100000xf32, #tpu.memory_space<hbm>> -> memref<1x100000xf32, #tpu.memory_space<hbm>>
    %dma_start3A_66 = tpu.memref_squeeze %dma_start3A_65 : memref<1x100000xf32, #tpu.memory_space<hbm>> -> memref<100000xf32, #tpu.memory_space<hbm>>
    %dma_start3A_67 = arith.constant 0 : i32
    %dma_start3A_68 = tpu.memref_slice %dma_start3A_66[%dma_start3A_67] : memref<100000xf32, #tpu.memory_space<hbm>> -> memref<100000xf32, #tpu.memory_space<hbm>>
    tpu.enqueue_indirect_dma source(%dma_start3A_68 : memref<100000xf32, #tpu.memory_space<hbm>>) target(%dma_start3A_61 : memref<256xf32, #tpu.memory_space<vmem>>) offsets(%dma_start3A_63 : memref<256xi32, #tpu.memory_space<vmem>>) semaphore(%arg18 : memref<!tpu.dma_semaphore, #tpu.memory_space<semaphore_mem>>)
    %dma_start3A_69 = arith.constant 0 : i32
    %dma_start3A_70 = arith.constant 256 : i32
    %dma_start3A_71 = tpu.memref_slice %arg13[%dma_start3A_70] : memref<512xf32, #tpu.memory_space<vmem>> -> memref<256xf32, #tpu.memory_space<vmem>>
    %dma_start3A_72 = arith.constant 256 : i32
    %dma_start3A_73 = tpu.memref_slice %arg10[%dma_start3A_72] : memref<512xi32, #tpu.memory_space<vmem>> -> memref<256xi32, #tpu.memory_space<vmem>>
    %dma_start3A_74 = arith.constant 0 : i32
    %dma_start3A_75 = tpu.memref_slice %arg6[%dma_start3A_69, %dma_start3A_74] : memref<1x100000xf32, #tpu.memory_space<hbm>> -> memref<1x100000xf32, #tpu.memory_space<hbm>>
    %dma_start3A_76 = tpu.memref_squeeze %dma_start3A_75 : memref<1x100000xf32, #tpu.memory_space<hbm>> -> memref<100000xf32, #tpu.memory_space<hbm>>
    %dma_start3A_77 = arith.constant 0 : i32
    %dma_start3A_78 = tpu.memref_slice %dma_start3A_76[%dma_start3A_77] : memref<100000xf32, #tpu.memory_space<hbm>> -> memref<100000xf32, #tpu.memory_space<hbm>>
    tpu.enqueue_indirect_dma source(%dma_start3A_78 : memref<100000xf32, #tpu.memory_space<hbm>>) target(%dma_start3A_71 : memref<256xf32, #tpu.memory_space<vmem>>) offsets(%dma_start3A_73 : memref<256xi32, #tpu.memory_space<vmem>>) semaphore(%arg18 : memref<!tpu.dma_semaphore, #tpu.memory_space<semaphore_mem>>)
    %dma_start3A_79 = arith.constant 0 : i32
    %dma_start3A_80 = arith.constant 256 : i32
    %dma_start3A_81 = tpu.memref_slice %arg14[%dma_start3A_80] : memref<512xf32, #tpu.memory_space<vmem>> -> memref<256xf32, #tpu.memory_space<vmem>>
    %dma_start3A_82 = arith.constant 256 : i32
    %dma_start3A_83 = tpu.memref_slice %arg10[%dma_start3A_82] : memref<512xi32, #tpu.memory_space<vmem>> -> memref<256xi32, #tpu.memory_space<vmem>>
    %dma_start3A_84 = arith.constant 0 : i32
    %dma_start3A_85 = tpu.memref_slice %arg7[%dma_start3A_79, %dma_start3A_84] : memref<1x100000xf32, #tpu.memory_space<hbm>> -> memref<1x100000xf32, #tpu.memory_space<hbm>>
    %dma_start3A_86 = tpu.memref_squeeze %dma_start3A_85 : memref<1x100000xf32, #tpu.memory_space<hbm>> -> memref<100000xf32, #tpu.memory_space<hbm>>
    %dma_start3A_87 = arith.constant 0 : i32
    %dma_start3A_88 = tpu.memref_slice %dma_start3A_86[%dma_start3A_87] : memref<100000xf32, #tpu.memory_space<hbm>> -> memref<100000xf32, #tpu.memory_space<hbm>>
    tpu.enqueue_indirect_dma source(%dma_start3A_88 : memref<100000xf32, #tpu.memory_space<hbm>>) target(%dma_start3A_81 : memref<256xf32, #tpu.memory_space<vmem>>) offsets(%dma_start3A_83 : memref<256xi32, #tpu.memory_space<vmem>>) semaphore(%arg18 : memref<!tpu.dma_semaphore, #tpu.memory_space<semaphore_mem>>)
    %dma_wait3A_89 = arith.constant 0 : i32
    %dma_wait3A_90 = arith.constant 0 : i32
    %dma_wait3A_91 = tpu.memref_slice %arg11[%dma_wait3A_90] : memref<512xf32, #tpu.memory_space<vmem>> -> memref<256xf32, #tpu.memory_space<vmem>>
    %dma_wait3A_92 = arith.constant 0 : i32
    %dma_wait3A_93 = tpu.memref_slice %arg9[%dma_wait3A_92] : memref<512xi32, #tpu.memory_space<vmem>> -> memref<256xi32, #tpu.memory_space<vmem>>
    %dma_wait3A_94 = arith.constant 0 : i32
    %dma_wait3A_95 = tpu.memref_slice %arg4[%dma_wait3A_89, %dma_wait3A_94] : memref<1x1000000xf32, #tpu.memory_space<hbm>> -> memref<1x1000000xf32, #tpu.memory_space<hbm>>
    %dma_wait3A_96 = tpu.memref_squeeze %dma_wait3A_95 : memref<1x1000000xf32, #tpu.memory_space<hbm>> -> memref<1000000xf32, #tpu.memory_space<hbm>>
    %dma_wait3A_97 = arith.constant 0 : i32
    %dma_wait3A_98 = tpu.memref_slice %dma_wait3A_96[%dma_wait3A_97] : memref<1000000xf32, #tpu.memory_space<hbm>> -> memref<1000000xf32, #tpu.memory_space<hbm>>
    tpu.wait_indirect_dma semaphore(%arg17 : memref<!tpu.dma_semaphore, #tpu.memory_space<semaphore_mem>>) src(%dma_wait3A_98 : memref<1000000xf32, #tpu.memory_space<hbm>>) dst(%dma_wait3A_91 : memref<256xf32, #tpu.memory_space<vmem>>)
    %dma_wait3A_99 = arith.constant 0 : i32
    %dma_wait3A_100 = arith.constant 0 : i32
    %dma_wait3A_101 = tpu.memref_slice %arg12[%dma_wait3A_100] : memref<512xf32, #tpu.memory_space<vmem>> -> memref<256xf32, #tpu.memory_space<vmem>>
    %dma_wait3A_102 = arith.constant 0 : i32
    %dma_wait3A_103 = tpu.memref_slice %arg10[%dma_wait3A_102] : memref<512xi32, #tpu.memory_space<vmem>> -> memref<256xi32, #tpu.memory_space<vmem>>
    %dma_wait3A_104 = arith.constant 0 : i32
    %dma_wait3A_105 = tpu.memref_slice %arg5[%dma_wait3A_99, %dma_wait3A_104] : memref<1x100000xf32, #tpu.memory_space<hbm>> -> memref<1x100000xf32, #tpu.memory_space<hbm>>
    %dma_wait3A_106 = tpu.memref_squeeze %dma_wait3A_105 : memref<1x100000xf32, #tpu.memory_space<hbm>> -> memref<100000xf32, #tpu.memory_space<hbm>>
    %dma_wait3A_107 = arith.constant 0 : i32
    %dma_wait3A_108 = tpu.memref_slice %dma_wait3A_106[%dma_wait3A_107] : memref<100000xf32, #tpu.memory_space<hbm>> -> memref<100000xf32, #tpu.memory_space<hbm>>
    tpu.wait_indirect_dma semaphore(%arg17 : memref<!tpu.dma_semaphore, #tpu.memory_space<semaphore_mem>>) src(%dma_wait3A_108 : memref<100000xf32, #tpu.memory_space<hbm>>) dst(%dma_wait3A_101 : memref<256xf32, #tpu.memory_space<vmem>>)
    %dma_wait3A_109 = arith.constant 0 : i32
    %dma_wait3A_110 = arith.constant 0 : i32
    %dma_wait3A_111 = tpu.memref_slice %arg13[%dma_wait3A_110] : memref<512xf32, #tpu.memory_space<vmem>> -> memref<256xf32, #tpu.memory_space<vmem>>
    %dma_wait3A_112 = arith.constant 0 : i32
    %dma_wait3A_113 = tpu.memref_slice %arg10[%dma_wait3A_112] : memref<512xi32, #tpu.memory_space<vmem>> -> memref<256xi32, #tpu.memory_space<vmem>>
    %dma_wait3A_114 = arith.constant 0 : i32
    %dma_wait3A_115 = tpu.memref_slice %arg6[%dma_wait3A_109, %dma_wait3A_114] : memref<1x100000xf32, #tpu.memory_space<hbm>> -> memref<1x100000xf32, #tpu.memory_space<hbm>>
    %dma_wait3A_116 = tpu.memref_squeeze %dma_wait3A_115 : memref<1x100000xf32, #tpu.memory_space<hbm>> -> memref<100000xf32, #tpu.memory_space<hbm>>
    %dma_wait3A_117 = arith.constant 0 : i32
    %dma_wait3A_118 = tpu.memref_slice %dma_wait3A_116[%dma_wait3A_117] : memref<100000xf32, #tpu.memory_space<hbm>> -> memref<100000xf32, #tpu.memory_space<hbm>>
    tpu.wait_indirect_dma semaphore(%arg17 : memref<!tpu.dma_semaphore, #tpu.memory_space<semaphore_mem>>) src(%dma_wait3A_118 : memref<100000xf32, #tpu.memory_space<hbm>>) dst(%dma_wait3A_111 : memref<256xf32, #tpu.memory_space<vmem>>)
    %dma_wait3A_119 = arith.constant 0 : i32
    %dma_wait3A_120 = arith.constant 0 : i32
    %dma_wait3A_121 = tpu.memref_slice %arg14[%dma_wait3A_120] : memref<512xf32, #tpu.memory_space<vmem>> -> memref<256xf32, #tpu.memory_space<vmem>>
    %dma_wait3A_122 = arith.constant 0 : i32
    %dma_wait3A_123 = tpu.memref_slice %arg10[%dma_wait3A_122] : memref<512xi32, #tpu.memory_space<vmem>> -> memref<256xi32, #tpu.memory_space<vmem>>
    %dma_wait3A_124 = arith.constant 0 : i32
    %dma_wait3A_125 = tpu.memref_slice %arg7[%dma_wait3A_119, %dma_wait3A_124] : memref<1x100000xf32, #tpu.memory_space<hbm>> -> memref<1x100000xf32, #tpu.memory_space<hbm>>
    %dma_wait3A_126 = tpu.memref_squeeze %dma_wait3A_125 : memref<1x100000xf32, #tpu.memory_space<hbm>> -> memref<100000xf32, #tpu.memory_space<hbm>>
    %dma_wait3A_127 = arith.constant 0 : i32
    %dma_wait3A_128 = tpu.memref_slice %dma_wait3A_126[%dma_wait3A_127] : memref<100000xf32, #tpu.memory_space<hbm>> -> memref<100000xf32, #tpu.memory_space<hbm>>
    tpu.wait_indirect_dma semaphore(%arg17 : memref<!tpu.dma_semaphore, #tpu.memory_space<semaphore_mem>>) src(%dma_wait3A_128 : memref<100000xf32, #tpu.memory_space<hbm>>) dst(%dma_wait3A_121 : memref<256xf32, #tpu.memory_space<vmem>>)
    %scan3A = arith.constant 0 : i32
    %scan3A_129 = arith.constant 0 : i32
    %scan3A_130 = arith.constant 16 : i32
    %scan3A_131 = arith.addi %scan3A_129, %scan3A_130 : i32
    %scan3A_132 = arith.constant 1 : i32
    scf.for %scan3A_208 = %scan3A_129 to %scan3A_131 step %scan3A_132  : i32 {
      %mul3A_209 = arith.constant 16 : i32
      %mul3A_210 = arith.muli %scan3A_208, %mul3A_209 : i32
      %get3A = arith.index_cast %mul3A_210 : i32 to index
      %get3A_211 = tpu.vector_load %arg11[%get3A] {strides = array<i32>} : memref<512xf32, #tpu.memory_space<vmem>>, vector<16xf32>,
      %get3A_212 = vector.shape_cast %get3A_211 : vector<16xf32> to vector<16xf32>
      %neg3A = arith.constant 0.000000e+00 : f32
      %neg3A_213 = vector.broadcast %neg3A : f32 to vector<16xf32>
      %neg3A_214 = arith.subf %neg3A_213, %get3A_212 : vector<16xf32>
      %exp3A = math.exp %neg3A_214 : vector<16xf32>
      %get3A_215 = arith.index_cast %mul3A_210 : i32 to index
      %get3A_216 = tpu.vector_load %arg13[%get3A_215] {strides = array<i32>} : memref<512xf32, #tpu.memory_space<vmem>>, vector<16xf32>,
      %get3A_217 = vector.shape_cast %get3A_216 : vector<16xf32> to vector<16xf32>
      %neg3A_218 = arith.constant 0.000000e+00 : f32
      %neg3A_219 = vector.broadcast %neg3A_218 : f32 to vector<16xf32>
      %neg3A_220 = arith.subf %neg3A_219, %get3A_217 : vector<16xf32>
      %exp3A_221 = math.exp %neg3A_220 : vector<16xf32>
      %get3A_222 = arith.index_cast %mul3A_210 : i32 to index
      %get3A_223 = tpu.vector_load %arg12[%get3A_222] {strides = array<i32>} : memref<512xf32, #tpu.memory_space<vmem>>, vector<16xf32>,
      %get3A_224 = vector.shape_cast %get3A_223 : vector<16xf32> to vector<16xf32>
      %neg3A_225 = arith.constant 0.000000e+00 : f32
      %neg3A_226 = vector.broadcast %neg3A_225 : f32 to vector<16xf32>
      %neg3A_227 = arith.subf %neg3A_226, %get3A_224 : vector<16xf32>
      %exp3A_228 = math.exp %neg3A_227 : vector<16xf32>
      %get3A_229 = arith.index_cast %mul3A_210 : i32 to index
      %get3A_230 = tpu.vector_load %arg14[%get3A_229] {strides = array<i32>} : memref<512xf32, #tpu.memory_space<vmem>>, vector<16xf32>,
      %get3A_231 = vector.shape_cast %get3A_230 : vector<16xf32> to vector<16xf32>
      %neg3A_232 = arith.constant 0.000000e+00 : f32
      %neg3A_233 = vector.broadcast %neg3A_232 : f32 to vector<16xf32>
      %neg3A_234 = arith.subf %neg3A_233, %get3A_231 : vector<16xf32>
      %exp3A_235 = math.exp %neg3A_234 : vector<16xf32>
      %sub3A = arith.subf %exp3A_221, %exp3A : vector<16xf32>
      %mul3A_236 = arith.constant 4.084800e+01 : f32
      %mul3A_237 = vector.broadcast %mul3A_236 : f32 to vector<16xf32>
      %mul3A_238 = arith.mulf %mul3A_237, %sub3A : vector<16xf32>
      %add3A_239 = arith.constant 1.000000e+00 : f32
      %add3A_240 = vector.broadcast %add3A_239 : f32 to vector<16xf32>
      %add3A_241 = arith.addf %add3A_240, %exp3A_228 : vector<16xf32>
      %add3A_242 = arith.constant 1.000000e+00 : f32
      %add3A_243 = vector.broadcast %add3A_242 : f32 to vector<16xf32>
      %add3A_244 = arith.addf %add3A_243, %exp3A : vector<16xf32>
      %add3A_245 = arith.constant 1.000000e+00 : f32
      %add3A_246 = vector.broadcast %add3A_245 : f32 to vector<16xf32>
      %add3A_247 = arith.addf %add3A_246, %exp3A_221 : vector<16xf32>
      %mul3A_248 = arith.mulf %add3A_244, %add3A_247 : vector<16xf32>
      %mul3A_249 = arith.mulf %add3A_241, %mul3A_248 : vector<16xf32>
      %div3A = arith.divf %mul3A_238, %mul3A_249 : vector<16xf32>
      %neg3A_250 = arith.constant 0.000000e+00 : f32
      %neg3A_251 = vector.broadcast %neg3A_250 : f32 to vector<16xf32>
      %neg3A_252 = arith.subf %neg3A_251, %div3A : vector<16xf32>
      %exp3A_253 = math.exp %neg3A_252 : vector<16xf32>
      %add3A_254 = arith.constant 1.000000e+00 : f32
      %add3A_255 = vector.broadcast %add3A_254 : f32 to vector<16xf32>
      %add3A_256 = arith.addf %add3A_255, %exp3A_253 : vector<16xf32>
      %add3A_257 = arith.addf %add3A_256, %exp3A_235 : vector<16xf32>
      %add3A_258 = arith.constant 1.000000e+00 : f32
      %add3A_259 = vector.broadcast %add3A_258 : f32 to vector<16xf32>
      %add3A_260 = arith.addf %add3A_259, %exp3A_253 : vector<16xf32>
      %add3A_261 = arith.constant 1.000000e+00 : f32
      %add3A_262 = vector.broadcast %add3A_261 : f32 to vector<16xf32>
      %add3A_263 = arith.addf %add3A_262, %exp3A_235 : vector<16xf32>
      %mul3A_264 = arith.mulf %add3A_260, %add3A_263 : vector<16xf32>
      %div3A_265 = arith.divf %add3A_257, %mul3A_264 : vector<16xf32>
      %swap3A = arith.index_cast %mul3A_210 : i32 to index
      %swap3A_266 = tpu.vector_load %arg15[%swap3A] {strides = array<i32>} : memref<512xf32, #tpu.memory_space<vmem>>, vector<16xf32>,
      %swap3A_267 = vector.shape_cast %swap3A_266 : vector<16xf32> to vector<16xf32>
      %swap3A_268 = vector.shape_cast %div3A_265 : vector<16xf32> to vector<16xf32>
      tpu.vector_store %arg15[%swap3A], %swap3A_268 {strides = array<i32>} : memref<512xf32, #tpu.memory_space<vmem>>, vector<16xf32>,
    }
    %scan3A_133 = arith.constant 16 : i32
    %add3A_134 = arith.constant 0 : i32
    %add3A_135 = arith.addi %mul3A_2, %add3A_134 : i32
    %dma_start3A_136 = arith.constant 0 : i32
    %dma_start3A_137 = tpu.memref_slice %arg15[%dma_start3A_136] : memref<512xf32, #tpu.memory_space<vmem>> -> memref<256xf32, #tpu.memory_space<vmem>>
    %dma_start3A_138 = tpu.memref_slice %arg8[%add3A_135] : memref<16384xf32, #tpu.memory_space<hbm>> -> memref<256xf32, #tpu.memory_space<hbm>>
    %dma_start3A_139 = tpu.memref_slice %arg8[%add3A_135] : memref<16384xf32, #tpu.memory_space<hbm>> -> memref<256xf32, #tpu.memory_space<hbm>>
    %dma_start3A_140 = arith.constant 0 : i32
    %dma_start3A_141 = tpu.memref_slice %arg15[%dma_start3A_140] : memref<512xf32, #tpu.memory_space<vmem>> -> memref<256xf32, #tpu.memory_space<vmem>>
    tpu.enqueue_dma source(%dma_start3A_141 : memref<256xf32, #tpu.memory_space<vmem>>) target(%dma_start3A_139 : memref<256xf32, #tpu.memory_space<hbm>>) target_semaphore(%arg19 : memref<!tpu.dma_semaphore, #tpu.memory_space<semaphore_mem>>)
    %dma_wait3A_142 = arith.constant 0 : i32
    %dma_wait3A_143 = arith.constant 256 : i32
    %dma_wait3A_144 = tpu.memref_slice %arg11[%dma_wait3A_143] : memref<512xf32, #tpu.memory_space<vmem>> -> memref<256xf32, #tpu.memory_space<vmem>>
    %dma_wait3A_145 = arith.constant 256 : i32
    %dma_wait3A_146 = tpu.memref_slice %arg9[%dma_wait3A_145] : memref<512xi32, #tpu.memory_space<vmem>> -> memref<256xi32, #tpu.memory_space<vmem>>
    %dma_wait3A_147 = arith.constant 0 : i32
    %dma_wait3A_148 = tpu.memref_slice %arg4[%dma_wait3A_142, %dma_wait3A_147] : memref<1x1000000xf32, #tpu.memory_space<hbm>> -> memref<1x1000000xf32, #tpu.memory_space<hbm>>
    %dma_wait3A_149 = tpu.memref_squeeze %dma_wait3A_148 : memref<1x1000000xf32, #tpu.memory_space<hbm>> -> memref<1000000xf32, #tpu.memory_space<hbm>>
    %dma_wait3A_150 = arith.constant 0 : i32
    %dma_wait3A_151 = tpu.memref_slice %dma_wait3A_149[%dma_wait3A_150] : memref<1000000xf32, #tpu.memory_space<hbm>> -> memref<1000000xf32, #tpu.memory_space<hbm>>
    tpu.wait_indirect_dma semaphore(%arg18 : memref<!tpu.dma_semaphore, #tpu.memory_space<semaphore_mem>>) src(%dma_wait3A_151 : memref<1000000xf32, #tpu.memory_space<hbm>>) dst(%dma_wait3A_144 : memref<256xf32, #tpu.memory_space<vmem>>)
    %dma_wait3A_152 = arith.constant 0 : i32
    %dma_wait3A_153 = arith.constant 256 : i32
    %dma_wait3A_154 = tpu.memref_slice %arg12[%dma_wait3A_153] : memref<512xf32, #tpu.memory_space<vmem>> -> memref<256xf32, #tpu.memory_space<vmem>>
    %dma_wait3A_155 = arith.constant 256 : i32
    %dma_wait3A_156 = tpu.memref_slice %arg10[%dma_wait3A_155] : memref<512xi32, #tpu.memory_space<vmem>> -> memref<256xi32, #tpu.memory_space<vmem>>
    %dma_wait3A_157 = arith.constant 0 : i32
    %dma_wait3A_158 = tpu.memref_slice %arg5[%dma_wait3A_152, %dma_wait3A_157] : memref<1x100000xf32, #tpu.memory_space<hbm>> -> memref<1x100000xf32, #tpu.memory_space<hbm>>
    %dma_wait3A_159 = tpu.memref_squeeze %dma_wait3A_158 : memref<1x100000xf32, #tpu.memory_space<hbm>> -> memref<100000xf32, #tpu.memory_space<hbm>>
    %dma_wait3A_160 = arith.constant 0 : i32
    %dma_wait3A_161 = tpu.memref_slice %dma_wait3A_159[%dma_wait3A_160] : memref<100000xf32, #tpu.memory_space<hbm>> -> memref<100000xf32, #tpu.memory_space<hbm>>
    tpu.wait_indirect_dma semaphore(%arg18 : memref<!tpu.dma_semaphore, #tpu.memory_space<semaphore_mem>>) src(%dma_wait3A_161 : memref<100000xf32, #tpu.memory_space<hbm>>) dst(%dma_wait3A_154 : memref<256xf32, #tpu.memory_space<vmem>>)
    %dma_wait3A_162 = arith.constant 0 : i32
    %dma_wait3A_163 = arith.constant 256 : i32
    %dma_wait3A_164 = tpu.memref_slice %arg13[%dma_wait3A_163] : memref<512xf32, #tpu.memory_space<vmem>> -> memref<256xf32, #tpu.memory_space<vmem>>
    %dma_wait3A_165 = arith.constant 256 : i32
    %dma_wait3A_166 = tpu.memref_slice %arg10[%dma_wait3A_165] : memref<512xi32, #tpu.memory_space<vmem>> -> memref<256xi32, #tpu.memory_space<vmem>>
    %dma_wait3A_167 = arith.constant 0 : i32
    %dma_wait3A_168 = tpu.memref_slice %arg6[%dma_wait3A_162, %dma_wait3A_167] : memref<1x100000xf32, #tpu.memory_space<hbm>> -> memref<1x100000xf32, #tpu.memory_space<hbm>>
    %dma_wait3A_169 = tpu.memref_squeeze %dma_wait3A_168 : memref<1x100000xf32, #tpu.memory_space<hbm>> -> memref<100000xf32, #tpu.memory_space<hbm>>
    %dma_wait3A_170 = arith.constant 0 : i32
    %dma_wait3A_171 = tpu.memref_slice %dma_wait3A_169[%dma_wait3A_170] : memref<100000xf32, #tpu.memory_space<hbm>> -> memref<100000xf32, #tpu.memory_space<hbm>>
    tpu.wait_indirect_dma semaphore(%arg18 : memref<!tpu.dma_semaphore, #tpu.memory_space<semaphore_mem>>) src(%dma_wait3A_171 : memref<100000xf32, #tpu.memory_space<hbm>>) dst(%dma_wait3A_164 : memref<256xf32, #tpu.memory_space<vmem>>)
    %dma_wait3A_172 = arith.constant 0 : i32
    %dma_wait3A_173 = arith.constant 256 : i32
    %dma_wait3A_174 = tpu.memref_slice %arg14[%dma_wait3A_173] : memref<512xf32, #tpu.memory_space<vmem>> -> memref<256xf32, #tpu.memory_space<vmem>>
    %dma_wait3A_175 = arith.constant 256 : i32
    %dma_wait3A_176 = tpu.memref_slice %arg10[%dma_wait3A_175] : memref<512xi32, #tpu.memory_space<vmem>> -> memref<256xi32, #tpu.memory_space<vmem>>
    %dma_wait3A_177 = arith.constant 0 : i32
    %dma_wait3A_178 = tpu.memref_slice %arg7[%dma_wait3A_172, %dma_wait3A_177] : memref<1x100000xf32, #tpu.memory_space<hbm>> -> memref<1x100000xf32, #tpu.memory_space<hbm>>
    %dma_wait3A_179 = tpu.memref_squeeze %dma_wait3A_178 : memref<1x100000xf32, #tpu.memory_space<hbm>> -> memref<100000xf32, #tpu.memory_space<hbm>>
    %dma_wait3A_180 = arith.constant 0 : i32
    %dma_wait3A_181 = tpu.memref_slice %dma_wait3A_179[%dma_wait3A_180] : memref<100000xf32, #tpu.memory_space<hbm>> -> memref<100000xf32, #tpu.memory_space<hbm>>
    tpu.wait_indirect_dma semaphore(%arg18 : memref<!tpu.dma_semaphore, #tpu.memory_space<semaphore_mem>>) src(%dma_wait3A_181 : memref<100000xf32, #tpu.memory_space<hbm>>) dst(%dma_wait3A_174 : memref<256xf32, #tpu.memory_space<vmem>>)
    %scan3A_182 = arith.constant 0 : i32
    %scan3A_183 = arith.constant 16 : i32
    %scan3A_184 = arith.constant 16 : i32
    %scan3A_185 = arith.addi %scan3A_183, %scan3A_184 : i32
    %scan3A_186 = arith.constant 1 : i32
    scf.for %scan3A_208 = %scan3A_183 to %scan3A_185 step %scan3A_186  : i32 {
      %mul3A_209 = arith.constant 16 : i32
      %mul3A_210 = arith.muli %scan3A_208, %mul3A_209 : i32
      %get3A = arith.index_cast %mul3A_210 : i32 to index
      %get3A_211 = tpu.vector_load %arg11[%get3A] {strides = array<i32>} : memref<512xf32, #tpu.memory_space<vmem>>, vector<16xf32>,
      %get3A_212 = vector.shape_cast %get3A_211 : vector<16xf32> to vector<16xf32>
      %neg3A = arith.constant 0.000000e+00 : f32
      %neg3A_213 = vector.broadcast %neg3A : f32 to vector<16xf32>
      %neg3A_214 = arith.subf %neg3A_213, %get3A_212 : vector<16xf32>
      %exp3A = math.exp %neg3A_214 : vector<16xf32>
      %get3A_215 = arith.index_cast %mul3A_210 : i32 to index
      %get3A_216 = tpu.vector_load %arg13[%get3A_215] {strides = array<i32>} : memref<512xf32, #tpu.memory_space<vmem>>, vector<16xf32>,
      %get3A_217 = vector.shape_cast %get3A_216 : vector<16xf32> to vector<16xf32>
      %neg3A_218 = arith.constant 0.000000e+00 : f32
      %neg3A_219 = vector.broadcast %neg3A_218 : f32 to vector<16xf32>
      %neg3A_220 = arith.subf %neg3A_219, %get3A_217 : vector<16xf32>
      %exp3A_221 = math.exp %neg3A_220 : vector<16xf32>
      %get3A_222 = arith.index_cast %mul3A_210 : i32 to index
      %get3A_223 = tpu.vector_load %arg12[%get3A_222] {strides = array<i32>} : memref<512xf32, #tpu.memory_space<vmem>>, vector<16xf32>,
      %get3A_224 = vector.shape_cast %get3A_223 : vector<16xf32> to vector<16xf32>
      %neg3A_225 = arith.constant 0.000000e+00 : f32
      %neg3A_226 = vector.broadcast %neg3A_225 : f32 to vector<16xf32>
      %neg3A_227 = arith.subf %neg3A_226, %get3A_224 : vector<16xf32>
      %exp3A_228 = math.exp %neg3A_227 : vector<16xf32>
      %get3A_229 = arith.index_cast %mul3A_210 : i32 to index
      %get3A_230 = tpu.vector_load %arg14[%get3A_229] {strides = array<i32>} : memref<512xf32, #tpu.memory_space<vmem>>, vector<16xf32>,
      %get3A_231 = vector.shape_cast %get3A_230 : vector<16xf32> to vector<16xf32>
      %neg3A_232 = arith.constant 0.000000e+00 : f32
      %neg3A_233 = vector.broadcast %neg3A_232 : f32 to vector<16xf32>
      %neg3A_234 = arith.subf %neg3A_233, %get3A_231 : vector<16xf32>
      %exp3A_235 = math.exp %neg3A_234 : vector<16xf32>
      %sub3A = arith.subf %exp3A_221, %exp3A : vector<16xf32>
      %mul3A_236 = arith.constant 4.084800e+01 : f32
      %mul3A_237 = vector.broadcast %mul3A_236 : f32 to vector<16xf32>
      %mul3A_238 = arith.mulf %mul3A_237, %sub3A : vector<16xf32>
      %add3A_239 = arith.constant 1.000000e+00 : f32
      %add3A_240 = vector.broadcast %add3A_239 : f32 to vector<16xf32>
      %add3A_241 = arith.addf %add3A_240, %exp3A_228 : vector<16xf32>
      %add3A_242 = arith.constant 1.000000e+00 : f32
      %add3A_243 = vector.broadcast %add3A_242 : f32 to vector<16xf32>
      %add3A_244 = arith.addf %add3A_243, %exp3A : vector<16xf32>
      %add3A_245 = arith.constant 1.000000e+00 : f32
      %add3A_246 = vector.broadcast %add3A_245 : f32 to vector<16xf32>
      %add3A_247 = arith.addf %add3A_246, %exp3A_221 : vector<16xf32>
      %mul3A_248 = arith.mulf %add3A_244, %add3A_247 : vector<16xf32>
      %mul3A_249 = arith.mulf %add3A_241, %mul3A_248 : vector<16xf32>
      %div3A = arith.divf %mul3A_238, %mul3A_249 : vector<16xf32>
      %neg3A_250 = arith.constant 0.000000e+00 : f32
      %neg3A_251 = vector.broadcast %neg3A_250 : f32 to vector<16xf32>
      %neg3A_252 = arith.subf %neg3A_251, %div3A : vector<16xf32>
      %exp3A_253 = math.exp %neg3A_252 : vector<16xf32>
      %add3A_254 = arith.constant 1.000000e+00 : f32
      %add3A_255 = vector.broadcast %add3A_254 : f32 to vector<16xf32>
      %add3A_256 = arith.addf %add3A_255, %exp3A_253 : vector<16xf32>
      %add3A_257 = arith.addf %add3A_256, %exp3A_235 : vector<16xf32>
      %add3A_258 = arith.constant 1.000000e+00 : f32
      %add3A_259 = vector.broadcast %add3A_258 : f32 to vector<16xf32>
      %add3A_260 = arith.addf %add3A_259, %exp3A_253 : vector<16xf32>
      %add3A_261 = arith.constant 1.000000e+00 : f32
      %add3A_262 = vector.broadcast %add3A_261 : f32 to vector<16xf32>
      %add3A_263 = arith.addf %add3A_262, %exp3A_235 : vector<16xf32>
      %mul3A_264 = arith.mulf %add3A_260, %add3A_263 : vector<16xf32>
      %div3A_265 = arith.divf %add3A_257, %mul3A_264 : vector<16xf32>
      %swap3A = arith.index_cast %mul3A_210 : i32 to index
      %swap3A_266 = tpu.vector_load %arg15[%swap3A] {strides = array<i32>} : memref<512xf32, #tpu.memory_space<vmem>>, vector<16xf32>,
      %swap3A_267 = vector.shape_cast %swap3A_266 : vector<16xf32> to vector<16xf32>
      %swap3A_268 = vector.shape_cast %div3A_265 : vector<16xf32> to vector<16xf32>
      tpu.vector_store %arg15[%swap3A], %swap3A_268 {strides = array<i32>} : memref<512xf32, #tpu.memory_space<vmem>>, vector<16xf32>,
    }
    %scan3A_187 = arith.constant 16 : i32
    %add3A_188 = arith.constant 256 : i32
    %add3A_189 = arith.addi %mul3A_2, %add3A_188 : i32
    %dma_start3A_190 = arith.constant 256 : i32
    %dma_start3A_191 = tpu.memref_slice %arg15[%dma_start3A_190] : memref<512xf32, #tpu.memory_space<vmem>> -> memref<256xf32, #tpu.memory_space<vmem>>
    %dma_start3A_192 = tpu.memref_slice %arg8[%add3A_189] : memref<16384xf32, #tpu.memory_space<hbm>> -> memref<256xf32, #tpu.memory_space<hbm>>
    %dma_start3A_193 = tpu.memref_slice %arg8[%add3A_189] : memref<16384xf32, #tpu.memory_space<hbm>> -> memref<256xf32, #tpu.memory_space<hbm>>
    %dma_start3A_194 = arith.constant 256 : i32
    %dma_start3A_195 = tpu.memref_slice %arg15[%dma_start3A_194] : memref<512xf32, #tpu.memory_space<vmem>> -> memref<256xf32, #tpu.memory_space<vmem>>
    tpu.enqueue_dma source(%dma_start3A_195 : memref<256xf32, #tpu.memory_space<vmem>>) target(%dma_start3A_193 : memref<256xf32, #tpu.memory_space<hbm>>) target_semaphore(%arg19 : memref<!tpu.dma_semaphore, #tpu.memory_space<semaphore_mem>>)
    %dma_wait3A_196 = arith.constant 0 : i32
    %dma_wait3A_197 = tpu.memref_slice %arg15[%dma_wait3A_196] : memref<512xf32, #tpu.memory_space<vmem>> -> memref<256xf32, #tpu.memory_space<vmem>>
    %dma_wait3A_198 = tpu.memref_slice %arg8[%add3A_135] : memref<16384xf32, #tpu.memory_space<hbm>> -> memref<256xf32, #tpu.memory_space<hbm>>
    %dma_wait3A_199 = tpu.memref_slice %arg8[%add3A_135] : memref<16384xf32, #tpu.memory_space<hbm>> -> memref<256xf32, #tpu.memory_space<hbm>>
    %dma_wait3A_200 = arith.constant 0 : i32
    %dma_wait3A_201 = tpu.memref_slice %arg15[%dma_wait3A_200] : memref<512xf32, #tpu.memory_space<vmem>> -> memref<256xf32, #tpu.memory_space<vmem>>
    tpu.wait_dma2 semaphore(%arg19 : memref<!tpu.dma_semaphore, #tpu.memory_space<semaphore_mem>>) src(%dma_wait3A_201 : memref<256xf32, #tpu.memory_space<vmem>>) dst(%dma_wait3A_199 : memref<256xf32, #tpu.memory_space<hbm>>)
    %dma_wait3A_202 = arith.constant 256 : i32
    %dma_wait3A_203 = tpu.memref_slice %arg15[%dma_wait3A_202] : memref<512xf32, #tpu.memory_space<vmem>> -> memref<256xf32, #tpu.memory_space<vmem>>
    %dma_wait3A_204 = tpu.memref_slice %arg8[%add3A_189] : memref<16384xf32, #tpu.memory_space<hbm>> -> memref<256xf32, #tpu.memory_space<hbm>>
    %dma_wait3A_205 = tpu.memref_slice %arg8[%add3A_189] : memref<16384xf32, #tpu.memory_space<hbm>> -> memref<256xf32, #tpu.memory_space<hbm>>
    %dma_wait3A_206 = arith.constant 256 : i32
    %dma_wait3A_207 = tpu.memref_slice %arg15[%dma_wait3A_206] : memref<512xf32, #tpu.memory_space<vmem>> -> memref<256xf32, #tpu.memory_space<vmem>>
    tpu.wait_dma2 semaphore(%arg19 : memref<!tpu.dma_semaphore, #tpu.memory_space<semaphore_mem>>) src(%dma_wait3A_207 : memref<256xf32, #tpu.memory_space<vmem>>) dst(%dma_wait3A_205 : memref<256xf32, #tpu.memory_space<hbm>>)
    return
  }
}

</mosaic_0001>

<sc_bundles>
// kernel: kernel.3.cloned.1.call-start
scs
__scs_entry_jumppad:
0x0: {  	(pc) =	sbr.rel $0x88, $3  }
0x1: {  	(tag) =	ssettag $0x0;
	lr =	simm.s32 $0x1  }
0x2: {  	[smem:$0x3F9B] =	sst lr;
	_ =	strace $0xD0000000  }
0x3: {  	_ = 	snop  }
0x4: {  	_ = 	snop  }
0x5: {  	_ = 	snop  }
0x6: {  	_ = 	snop  }
0x7: {  	_ = 	snop  }
__scs_overlays_trampoline_lowered:
0x8: {  	[smem:$0x3FAA] =	sst s0  }
0x9: {  	[smem:$0x3FAB] =	sst s1  }
0xa: {  	[smem:$0x3FAC] =	sst s2  }
0xb: {  	[smem:$0x3FAD] =	sst s3  }
0xc: {  	[smem:$0x3FAE] =	sst s4  }
0xd: {  	[smem:$0x3FAF] =	sst s5  }
0xe: {  	[smem:$0x3FB0] =	sst s6  }
0xf: {  	[smem:$0x3FB1] =	sst s7  }
0x10: {  	[smem:$0x3FB2] =	sst s8  }
0x11: {  	[smem:$0x3FB3] =	sst s9;
	s0 =	simm.s32 @!p0 $0x0  }
0x12: {  	s1 =	sld [smem:$0x3F99];
	s0 =	simm.s32 @p0 $0x1  }
0x13: {  	[smem:$0x3FB4] =	sst s0;
	s0 =	simm.s32 @!p1 $0x0  }
0x14: {  	s2 =	sld [smem:$0x3F98];
	s0 =	simm.s32 @p1 $0x1  }
0x15: {  	[smem:$0x3FB5] =	sst s0;
	s0 =	simm.s32 @!p2 $0x0  }
0x16: {  	s3 =	sld [smem:$0x3FDB];
	s0 =	simm.s32 @p2 $0x1  }
0x17: {  	s4 =	simm.s32 $0x1BF5;
	[smem:$0x3FB7] =	sst s0  }
0x18: {  	s0 =	sld [smem:$0x3F9A];
	_ =	swait.ge [sflag:s4], $0x0  }
0x19: {  	s7 =	sld [smem:$0x3F9B]  }
0x1a: {  	s8 =	sadd.s32 $0xFFFFE003, lr  }
0x1b: {  	s9 =	sadd.s32 $0xFFFFFEF7, lr;
	s5 =	simm.s32 $0xFFFFFFFF;
	p2 =	slt.u32 s8, $0xFFFFF086  }
0x1c: {  	p1 =	slt.u32 s9, $0xF7A;
	s5 =	simm.s32 @!p2 $0x0  }
0x1d: {  	s5 =	simm.s32 @p1 $0x1;
	p0 =	seq.s32 s7, s2  }
0x1e: {  	s7 =	smul.u32 @!p0 $0xF7A, s2;
	p2 =	seq.s32 @!p0 s5, $0x0  }
0x1f: {  	s9 =	smul.u32 $0xF7A, s1;
	s8 =	simm.s32 @!p0 $0x1BF5;
	p2 =	por !p2, p0  }
0x20: {  	[sflag:s8] =	ssyncset.s32 @!p0 $0xFFFFF086;
	s6 =	sadd.s32 @!p0 s3, s7;
	s7 =	simm.s32 @!p0 $0x108  }
0x21: {  	s3 =	sadd.s32 s3, s9;
	s6 =	sadd.s32 @!p0 $0x88, s6;
	s7 =	simm.s32 @p2 $0x1082  }
0x22: {  	[simem:s7], [sflag:s8] =	dma.local @!p0 [hbm:s6], $0xF7A  }
0x23: {  	s9 =	sor.u32 $0xD0000000, s2;
	s6 =	simm.s32 $0x108;
	_ =	swait.ge @!p0 [sflag:s8], $0x0  }
0x24: {  	s3 =	sadd.s32 $0x88, s3;
	s6 =	simm.s32 @!p1 $0x1082;
	[sflag:s4] =	ssyncset.s32 $0xFFFFF086  }
0x25: {  	[simem:s6], [sflag:s4] =	dma.local [hbm:s3], $0xF7A  }
0x26: {  	[smem:$0x3F9B] =	sst s1;
	(tag) =	ssettag s2;
	_ =	strace s9  }
0x27: {  	s1 =	sld [smem:$0x3FAB]  }
0x28: {  	s2 =	sld [smem:$0x3FAC]  }
0x29: {  	s4 =	sld [smem:$0x3FAE]  }
0x2a: {  	p0 =	seq.s32 s5, $0x0;
	s5 =	sld [smem:$0x3FAF]  }
0x2b: {  	s6 =	sld [smem:$0x3FB0]  }
0x2c: {  	s7 =	sld [smem:$0x3FB1]  }
0x2d: {  	s3 =	simm.s32 $0x108;
	s8 =	sld [smem:$0x3FB2]  }
0x2e: {  	s3 =	simm.s32 @!p0 $0x1082;
	s9 =	sld [smem:$0x3FB3]  }
0x2f: {  	lr =	sadd.s32 s0, s3;
	s0 =	sld [smem:$0x3FAA]  }
0x30: {  	s3 =	sld [smem:$0x3FAD]  }
0x31: {  	[smem:$0x3FB6] =	sst s10  }
0x32: {  	s10 =	sld [smem:$0x3FB4];
	_ =	sdelay $0x3  }
0x33: {  	p0 =	seq.s32 s10, $0x1;
	s10 =	sld [smem:$0x3FB6];
	_ =	sdelay $0x3  }
0x34: {  	[smem:$0x3FB6] =	sst s10  }
0x35: {  	s10 =	sld [smem:$0x3FB5];
	_ =	sdelay $0x3  }
0x36: {  	p1 =	seq.s32 s10, $0x1;
	s10 =	sld [smem:$0x3FB6];
	_ =	sdelay $0x3  }
0x37: {  	[smem:$0x3FB6] =	sst s10  }
0x38: {  	s10 =	sld [smem:$0x3FB7]  }
0x39: {  	_ = 	snop;
	(pc) =	sbr.ind lr, $3  }
0x3a: {  	_ = 	snop  }
0x3b: {  	_ = 	snop  }
0x3c: {  	p2 =	seq.s32 s10, $0x1;
	s10 =	sld [smem:$0x3FB6]  }
0x3d: {  	_ =	shalt  }
0x3e: {  	_ =	shalt  }
0x3f: {  	_ =	shalt  }
0x40: {  	_ =	shalt  }
0x41: {  	_ =	shalt  }
0x42: {  	_ =	shalt  }
0x43: {  	_ =	shalt  }
0x44: {  	_ =	shalt  }
0x45: {  	_ =	shalt  }
0x46: {  	_ =	shalt  }
0x47: {  	_ =	shalt  }
0x48: {  	_ =	shalt  }
0x49: {  	_ =	shalt  }
0x4a: {  	_ =	shalt  }
0x4b: {  	_ =	shalt  }
0x4c: {  	_ =	shalt  }
0x4d: {  	_ =	shalt  }
0x4e: {  	_ =	shalt  }
0x4f: {  	_ =	shalt  }
0x50: {  	_ =	shalt  }
0x51: {  	_ =	shalt  }
0x52: {  	_ =	shalt  }
0x53: {  	_ =	shalt  }
0x54: {  	_ =	shalt  }
0x55: {  	_ =	shalt  }
0x56: {  	_ =	shalt  }
0x57: {  	_ =	shalt  }
0x58: {  	_ =	shalt  }
0x59: {  	_ =	shalt  }
0x5a: {  	_ =	shalt  }
0x5b: {  	_ =	shalt  }
0x5c: {  	_ =	shalt  }
0x5d: {  	_ =	shalt  }
0x5e: {  	_ =	shalt  }
0x5f: {  	_ =	shalt  }
0x60: {  	_ =	shalt  }
0x61: {  	_ =	shalt  }
0x62: {  	_ =	shalt  }
0x63: {  	_ =	shalt  }
0x64: {  	_ =	shalt  }
0x65: {  	_ =	shalt  }
0x66: {  	_ =	shalt  }
0x67: {  	_ =	shalt  }
0x68: {  	_ =	shalt  }
0x69: {  	_ =	shalt  }
0x6a: {  	_ =	shalt  }
0x6b: {  	_ =	shalt  }
0x6c: {  	_ =	shalt  }
0x6d: {  	_ =	shalt  }
0x6e: {  	_ =	shalt  }
0x6f: {  	_ =	shalt  }
0x70: {  	_ =	shalt  }
0x71: {  	_ =	shalt  }
0x72: {  	_ =	shalt  }
0x73: {  	_ =	shalt  }
0x74: {  	_ =	shalt  }
0x75: {  	_ =	shalt  }
0x76: {  	_ =	shalt  }
0x77: {  	_ =	shalt  }
0x78: {  	_ =	shalt  }
0x79: {  	_ =	shalt  }
0x7a: {  	_ =	shalt  }
0x7b: {  	_ =	shalt  }
0x7c: {  	_ =	shalt  }
0x7d: {  	_ =	shalt  }
0x7e: {  	_ =	shalt  }
0x7f: {  	_ =	shalt  }
0x80: {  	_ =	shalt  }
0x81: {  	_ =	shalt  }
0x82: {  	_ =	shalt  }
0x83: {  	_ =	shalt  }
0x84: {  	_ =	shalt  }
0x85: {  	_ =	shalt  }
0x86: {  	_ =	shalt  }
0x87: {  	_ =	shalt  }
.Lfunc_end0:
.L_simem_size_0:
called_computation_lowered:
.L_overlay_start_0:
0x88: {  	s2 =	sld [smem:$0x3FD9]  }
0x89: {  	s3 =	sld [smem:$0x3FFE];
	_ =	sdelay $0x1  }
0x8a: {  	s1 =	srdreg.scid  }
0x8b: {  	s0 =	sand.u32 $0x1, s1  }
0x8c: {  	s18 =	sshll.u32 s0, $0xA;
	s2 =	sadd.s32 s3, s2  }
0x8d: {  	s2 =	sadd.s32 s2, s18  }
0x8e: {  	[smem:$0x3FC2] =	sst s2  }
0x8f: {  	_ = 	snop  }
0x90: {  	s2 =	sld [smem:$0x3FC9]  }
0x91: {  	s19 =	sld [smem:$0x3FC8]  }
0x92: {  	s4 =	sld [smem:$0x3FC7]  }
0x93: {  	s5 =	sld [smem:$0x3FC6]  }
0x94: {  	s6 =	sld [smem:$0x3FC5]  }
0x95: {  	s7 =	sld [smem:$0x3FC4]  }
0x96: {  	s8 =	sld [smem:$0x3FD0];
	(tm) =	ssettm $0x1  }
0x97: {  	s9 =	sld [smem:$0x3FFB];
	_ =	sdelay $0x3  }
0x98: {  	_ =	strace s9  }
0x99: {  	s9 =	sld [smem:$0x3FFC];
	_ =	sdelay $0x3  }
0x9a: {  	_ =	strace s9  }
0x9b: {  	s9 =	sld [smem:$0x3FFD];
	_ =	sdelay $0x3  }
0x9c: {  	_ =	strace s9  }
0x9d: {  	_ =	strace $0x8FFFFFFF  }
0x9e: {  	s20 =	sld [smem:$0x3FDB];
	_ =	sdelay $0x1  }
0x9f: {  	s10 =	simm.s32 $_scs_section_size  }
0xa0: {  	s11 =	simm.s32 $_size__tile_overlayer_lowered;
	s12 =	simm.s32 $_tile_overlayer_lowered  }
0xa1: {  	s23 =	simm.s32 $0x1BFF;
	s22 =	sshll.u32 s12, $0x1;
	s9 =	sadd.s32 s10, s20  }
0xa2: {  	s13 =	simm.s32 $0x0;
	s21 =	sshll.u32 s11, $0x1;
	s11 =	sadd.s32 s22, s9  }
0xa3: {  	[timem:s13], [sflag:s23] =	dma.local [hbm:s11], s21  }
0xa4: {  	_ =	swait.ge [sflag:s23], s21  }
0xa5: {  	s10 =	ssub.s32 $0x0, s21;
	[sflag:s23] =	ssyncset.done $0x0  }
0xa6: {  	[sflag:s23] =	ssyncadd.s32 s10;
	_ =	sdelay $0x1  }
0xa7: {  	s24 =	simm.s32 $0x1B8B  }
0xa8: {  	_ =	swait.ge [sflag:s24], $0x1  }
0xa9: {  	[sflag:s24] =	ssyncset.done $0x0  }
0xaa: {  	s25 =	simm.s32 $0x1B8E;
	[sflag:s24] =	ssyncadd.s32 $0xFFFFFFFF  }
0xab: {  	s26 =	simm.s32 $execute0_lowered;
	[smem:$0x3FD2] =	sst s25  }
0xac: {  	s10 =	sshll.u32 s26, $0x1;
	_ =	strace $0x80000046;
	[dreg:$0x1] =	wrdreg $0xFFFFFFFF  }
0xad: {  	s28 =	simm.s32 $_size_execute0_lowered;
	s9 =	sadd.s32 s9, s10;
	[dreg:$0x0] =	wrdreg $0x0  }
0xae: {  	s10 =	sshll.u32 s28, $0x1;
	[dreg:$0x2] =	wrdreg s9  }
0xaf: {  	[dreg:$0x3] =	wrdreg s10  }
0xb0: {  	[dreg:$0x4] =	wrdreg $0xC0  }
0xb1: {  	_ =	task [dreg:s13], $0x5FFFF  }
0xb2: {  	[dreg:$0x1] =	wrdreg $0xFFFFFFFF  }
0xb3: {  	[dreg:$0x0] =	wrdreg $0x60  }
0xb4: {  	[dreg:$0x2] =	wrdreg s2  }
0xb5: {  	[dreg:$0x3] =	wrdreg s19  }
0xb6: {  	[dreg:$0x4] =	wrdreg s4  }
0xb7: {  	[dreg:$0x5] =	wrdreg s5  }
0xb8: {  	[dreg:$0x6] =	wrdreg s6  }
0xb9: {  	[dreg:$0x7] =	wrdreg s7  }
0xba: {  	[dreg:$0x8] =	wrdreg s8  }
0xbb: {  	[dreg:$0x9] =	wrdreg $0x9  }
0xbc: {  	_ =	task.clear_ibuf [dreg:s13], $0xAFFFF;
	_ =	strace $0x90000046  }
0xbd: {  	s29 =	simm.s32 $0x9;
	_ =	strace $0x80000048  }
0xbe: {  	_ =	swait.ge [sflag:s29], $0x1  }
0xbf: {  	[sflag:s29] =	ssyncadd.s32 $0xFFFFFFFF  }
0xc0: {  	_ =	strace $0x90000048  }
0xc1: {  	_ =	sfence  }
0xc2: {  	s30 =	sld [smem:$0x0];
	_ =	sdelay $0x2  }
0xc3: {  	s31 =	sshll.u32 s1, $0xD;
	s1 =	sshrl.u32 s1, $0x2  }
0xc4: {  	s3 =	sand.u32 $0x4000, s31;
	s1 =	sadd.s32 s1, s30  }
0xc5: {  	s0 =	sor.u32 s3, s0;
	s1 =	sshll.u32 s1, $0x11  }
0xc6: {  	s0 =	sor.u32 s1, s0  }
0xc7: {  	s0 =	sadd.s32 $0x8F2B, s0  }
0xc8: {  	[sflag:s0] =	ssyncadd.remote.s32 $0x1  }
0xc9: {  	_ =	sfence.sel $0xFFFF  }
0xca: {  	[dreg:$0x0] =	wrdreg $0xFFFFFFFF;
	(pc) =	sbr.abs _section_cstart, $3  }
0xcb: {  	[dreg:$0x1] =	wrdreg $0xFFFFFFFF  }
0xcc: {  	_ =	task.clear_ibuf [dreg:s13], $0x2FFFF;
	_ =	strace $0x9FFFFFFF  }
0xcd: {  	(tm) =	ssettm $0x7FFFFFFF  }
tec
execute0_lowered:
.L_overlay_start_1:
0x0: {  	(tag) =	ssettag $0x1  }
0x1: {  	s0 =	rddreg [dreg:$0x0]  }
0x2: {  	s5 =	rddreg [dreg:$0x1]  }
0x3: {  	s1 =	rddreg [dreg:$0x2]  }
0x4: {  	s2 =	rddreg [dreg:$0x3]  }
0x5: {  	s3 =	rddreg [dreg:$0x4]  }
0x6: {  	s4 =	rddreg [dreg:$0x5]  }
0x7: {  	s8 =	rddreg [dreg:$0x6]  }
0x8: {  	s6 =	simm.s32 $0x0;
	s7 =	srdreg.scid;
	s10 =	stileid.u32  }
0x9: {  	s12 =	simm.s32 $0x200;
	s13 =	simm.s32 $0x1;
	s14 =	simm.s32 $0x100  }
0xa: {  	s20 =	simm.s32 $0x300;
	s21 =	simm.s32 $0x700;
	s22 =	simm.s32 $0x900  }
0xb: {  	s23 =	simm.s32 $0xB00;
	s24 =	simm.s32 $0x2;
	s25 =	simm.s32 $0xC00  }
0xc: {  	s26 =	simm.s32 $0x3;
	s28 =	simm.s32 $0xD00;
	s29 =	simm.s32 $0x4  }
0xd: {  	s30 =	simm.s32 $0x0;
	[smem:$0x7FF] =	sst s6;
	s7 =	sand.u32 $0x1, s7  }
0xe: {  	s10 =	sshll.u32 s10, $0x7;
	s9 =	ssub.s32 $0x2, s7;
	s7 =	sshll.u32 s7, $0x6  }
0xf: {  	_ =	strace $0x80000047;
	s11 =	sshrl.u32 s9, $0x1;
	s10 =	sor.u32 s7, s10  }
0x10: {  	s11 =	ssub.s32 s9, s11;
	s7 =	sadd.s32 s0, s10;
	s8 =	sadd.s32 s8, s10  }
0x11: {  	s9 =	sadd.s32 s5, s10;
	s10 =	sadd.s32 $0x20, s8;
	s11 =	smax.u32 s11, $0x1  }
.LBB2_1:
0x12: {  	[tilespmem:s6], [sflag:$0x1] =	stream.linear.gather [hbm4b:s7+s6], $0x200, $0x38;
	[tilespmem:$0xE00] =	vst v63  }
0x13: {  	_ = 	snop  }
0x14: {  	[tilespmem:s12], [sflag:$0x1] =	stream.linear.gather [hbm4b:s9+s6], $0x200, $0x38;
	[tilespmem:$0xE00] =	vst v63  }
0x15: {  	_ =	swait.ge [sflag:s13], $0x200  }
0x16: {  	[sflag:s13] =	ssyncset.done $0x0  }
0x17: {  	s0 =	simm.s32 $0x400;
	[sflag:s13] =	ssyncadd.s32 $0xFFFFFE00  }
0x18: {  	[tilespmem:s0], [sflag:$0x2] =	stream.indirect.gather [hbm4b:s1+s14], $0x1, s6, s14, $0xb8;
	[tilespmem:$0xE00] =	vst v63  }
0x19: {  	s16 =	simm.s32 $0x500  }
0x1a: {  	[tilespmem:s16], [sflag:$0x3] =	stream.indirect.gather [hbm4b:s1+s14], $0x1, s14, s14, $0xb8;
	[tilespmem:$0xE00] =	vst v63  }
0x1b: {  	_ =	swait.ge [sflag:s13], $0x200  }
0x1c: {  	[sflag:s13] =	ssyncset.done $0x0  }
0x1d: {  	s17 =	simm.s32 $0x600;
	[sflag:s13] =	ssyncadd.s32 $0xFFFFFE00  }
0x1e: {  	[tilespmem:s17], [sflag:$0x2] =	stream.indirect.gather [hbm4b:s2+s14], $0x1, s12, s14, $0xb8;
	[tilespmem:$0xE00] =	vst v63  }
0x1f: {  	s18 =	simm.s32 $0x800  }
0x20: {  	[tilespmem:s18], [sflag:$0x2] =	stream.indirect.gather [hbm4b:s3+s14], $0x1, s12, s14, $0xb8;
	[tilespmem:$0xE00] =	vst v63  }
0x21: {  	s19 =	simm.s32 $0xA00  }
0x22: {  	[tilespmem:s19], [sflag:$0x2] =	stream.indirect.gather [hbm4b:s4+s14], $0x1, s12, s14, $0xb8;
	[tilespmem:$0xE00] =	vst v63  }
0x23: {  	_ = 	snop  }
0x24: {  	[tilespmem:s21], [sflag:$0x3] =	stream.indirect.gather [hbm4b:s2+s14], $0x1, s20, s14, $0xb8;
	[tilespmem:$0xE00] =	vst v63  }
0x25: {  	_ = 	snop  }
0x26: {  	[tilespmem:s22], [sflag:$0x3] =	stream.indirect.gather [hbm4b:s3+s14], $0x1, s20, s14, $0xb8;
	[tilespmem:$0xE00] =	vst v63  }
0x27: {  	_ = 	snop  }
0x28: {  	[tilespmem:s23], [sflag:$0x3] =	stream.indirect.gather [hbm4b:s4+s14], $0x1, s20, s14, $0xb8;
	[tilespmem:$0xE00] =	vst v63  }
0x29: {  	_ =	swait.ge [sflag:s24], $0x100  }
0x2a: {  	[sflag:s24] =	ssyncset.done $0x0  }
0x2b: {  	[sflag:s24] =	ssyncadd.s32 $0xFFFFFF00  }
0x2c: {  	_ =	swait.ge [sflag:s24], $0x100  }
0x2d: {  	[sflag:s24] =	ssyncset.done $0x0  }
0x2e: {  	[sflag:s24] =	ssyncadd.s32 $0xFFFFFF00  }
0x2f: {  	_ =	swait.ge [sflag:s24], $0x100  }
0x30: {  	[sflag:s24] =	ssyncset.done $0x0  }
0x31: {  	[sflag:s24] =	ssyncadd.s32 $0xFFFFFF00  }
0x32: {  	_ =	swait.ge [sflag:s24], $0x100  }
0x33: {  	[sflag:s24] =	ssyncset.done $0x0  }
0x34: {  	s16 =	simm.s32 $0x0;
	[sflag:s24] =	ssyncadd.s32 $0xFFFFFF00  }
0x35: {  	v0 =	vld [tilespmem:s16+$0x600]  }
0x36: {  	v1 =	vld [tilespmem:s16+$0x400]  }
0x37: {  	v2 =	vld [tilespmem:s16+$0x800];
	_ =	sdelay $0x2  }
0x38: {  	v0 =	vsub.f32 $0.0e+00, v0  }
0x39: {  	v1 =	vsub.f32 $0.0e+00, v1  }
0x3a: {  	v2 =	vsub.f32 $0.0e+00, v2;
	v0 =	vmul.f32 $1.442695020e+00, v0  }
0x3b: {  	s0 =	simm.s32 $0x10;
	v1 =	vmul.f32 $1.442695020e+00, v1  }
0x3c: {  	v2 =	vmul.f32 $1.442695020e+00, v2;
	(erf) = vpow2.f32 v0;
	v0 =	vld [tilespmem:s0+$0x600]  }
0x3d: {  	(erf) = vpow2.f32 v1  }
0x3e: {  	(erf) = vpow2.f32 v2  }
0x3f: {  	v1 =	vld [tilespmem:s0+$0x400]  }
0x40: {  	v2 =	vld [tilespmem:s0+$0x800]  }
0x41: {  	v0 =	vsub.f32 $0.0e+00, v0;
	_ =	sdelay $0x1  }
0x42: {  	v0 =	vmul.f32 $1.442695020e+00, v0  }
0x43: {  	v1 =	vsub.f32 $0.0e+00, v1  }
0x44: {  	v2 =	vsub.f32 $0.0e+00, v2;
	v3 =	vpop (erf)  }
0x45: {  	v1 =	vmul.f32 $1.442695020e+00, v1;
	v4 =	vpop (erf)  }
0x46: {  	v2 =	vmul.f32 $1.442695020e+00, v2;
	(erf) = vpow2.f32 v0;
	v0 =	vpop (erf)  }
0x47: {  	s5 =	simm.s32 $0x20;
	(erf) = vpow2.f32 v1;
	v1 =	vadd.f32 $1.000000000e+00, v4;
	v5 =	vadd.f32 $1.000000000e+00, v0  }
0x48: {  	v6 =	vld [tilespmem:s5+$0x600];
	(erf) = vpow2.f32 v2  }
0x49: {  	v3 =	vadd.f32 $1.000000000e+00, v3;
	v2 =	vld [tilespmem:s5+$0x400];
	v1 =	vmul.f32 v5, v1  }
0x4a: {  	v5 =	vld [tilespmem:s5+$0x800]  }
0x4b: {  	v1 =	vmul.f32 v1, v3;
	_ =	sdelay $0x1  }
0x4c: {  	v3 =	vsub.f32 $0.0e+00, v6;
	(erf) = vrcp.f32 v1  }
0x4d: {  	v1 =	vsub.f32 $0.0e+00, v2  }
0x4e: {  	s31 =	simm.s32 $0x30;
	v3 =	vmul.f32 $1.442695020e+00, v3;
	v2 =	vsub.f32 $0.0e+00, v5;
	v5 =	vpop (erf)  }
0x4f: {  	v8 =	vld [tilespmem:s31+$0x600];
	v1 =	vmul.f32 $1.442695020e+00, v1;
	v6 =	vpop (erf)  }
0x50: {  	(erf) = vpow2.f32 v3;
	v3 =	vld [tilespmem:s16+$0xA00];
	v2 =	vmul.f32 $1.442695020e+00, v2;
	v7 =	vpop (erf)  }
0x51: {  	v10 =	vld [tilespmem:s31+$0x400];
	(erf) = vpow2.f32 v1;
	v1 =	vadd.f32 $1.000000000e+00, v6;
	v9 =	vadd.f32 $1.000000000e+00, v7  }
0x52: {  	v0 =	vsub.f32 v0, v4  }
0x53: {  	(erf) = vpow2.f32 v2;
	v2 =	vadd.f32 $1.000000000e+00, v5;
	v1 =	vmul.f32 v9, v1  }
0x54: {  	v0 =	vmul.f32 $-4.084799960e+01, v0  }
0x55: {  	v1 =	vmul.f32 v1, v2;
	v2 =	vsub.f32 $0.0e+00, v3;
	v3 =	vpop (erf)  }
0x56: {  	v4 =	vld [tilespmem:s31+$0x800];
	v5 =	vsub.f32 $0.0e+00, v8;
	v0 =	vmul.f32 v3, v0;
	v3 =	vsub.f32 $0.0e+00, v10  }
0x57: {  	(erf) = vrcp.f32 v1;
	v1 =	vmul.f32 $1.442695020e+00, v2  }
0x58: {  	v3 =	vmul.f32 $1.442695020e+00, v3  }
0x59: {  	v2 =	vmul.f32 $1.442695020e+00, v5  }
0x5a: {  	v5 =	vpop (erf);
	v0 =	vadd.f32 $0.0e+00, v0;
	(erf) = vpow2.f32 v1  }
0x5b: {  	s15 =	simm.s32 $0x40;
	v4 =	vsub.f32 $0.0e+00, v4;
	(erf) = vpow2.f32 v2;
	v1 =	vpop (erf)  }
0x5c: {  	v10 =	vld [tilespmem:s15+$0x400];
	v0 =	vmul.f32 $1.442695020e+00, v0;
	(erf) = vpow2.f32 v3;
	v3 =	vpop (erf)  }
0x5d: {  	v4 =	vmul.f32 $1.442695020e+00, v4;
	v8 =	vld [tilespmem:s15+$0x600];
	v9 =	vadd.f32 $1.000000000e+00, v1;
	v11 =	vadd.f32 $1.000000000e+00, v3  }
0x5e: {  	v5 =	vadd.f32 $1.000000000e+00, v5;
	v2 =	vld [tilespmem:s0+$0xA00];
	(erf) = vpow2.f32 v0  }
0x5f: {  	(erf) = vpow2.f32 v4;
	v4 =	vsub.f32 v7, v6;
	v6 =	vmul.f32 v11, v9  }
0x60: {  	v0 =	vld [tilespmem:s15+$0x800]  }
0x61: {  	v7 =	vsub.f32 $0.0e+00, v10;
	v5 =	vmul.f32 v6, v5  }
0x62: {  	v8 =	vsub.f32 $0.0e+00, v8;
	v4 =	vmul.f32 $-4.084799960e+01, v4  }
0x63: {  	v2 =	vsub.f32 $0.0e+00, v2;
	v6 =	vpop (erf);
	(erf) = vrcp.f32 v5;
	v5 =	vmul.f32 $1.442695020e+00, v7  }
0x64: {  	v7 =	vmul.f32 $1.442695020e+00, v8;
	v4 =	vmul.f32 v6, v4  }
0x65: {  	v2 =	vmul.f32 $1.442695020e+00, v2;
	v0 =	vsub.f32 $0.0e+00, v0;
	v6 =	vpop (erf)  }
0x66: {  	v8 =	vpop (erf);
	v4 =	vadd.f32 $0.0e+00, v4  }
0x67: {  	v0 =	vmul.f32 $1.442695020e+00, v0;
	(erf) = vpow2.f32 v2;
	v9 =	vpop (erf)  }
0x68: {  	(erf) = vpow2.f32 v7;
	v7 =	vpop (erf);
	v4 =	vmul.f32 $1.442695020e+00, v4  }
0x69: {  	v10 =	vadd.f32 $1.000000000e+00, v6;
	(erf) = vpow2.f32 v5;
	v5 =	vadd.f32 $1.000000000e+00, v9;
	v12 =	vpop (erf)  }
0x6a: {  	s17 =	simm.s32 $0x50;
	v7 =	vadd.f32 $1.000000000e+00, v7;
	v14 =	vadd.f32 $1.000000000e+00, v12;
	(erf) = vpow2.f32 v4  }
0x6b: {  	v11 =	vld [tilespmem:s17+$0x600];
	(erf) = vpow2.f32 v0;
	v0 =	vsub.f32 v3, v1;
	v3 =	vadd.f32 $1.000000000e+00, v8  }
0x6c: {  	v2 =	vld [tilespmem:s5+$0xA00]  }
0x6d: {  	v13 =	vld [tilespmem:s17+$0x400];
	v1 =	vmul.f32 v7, v10;
	v5 =	vmul.f32 v14, v5  }
0x6e: {  	v4 =	vld [tilespmem:s17+$0x800];
	v0 =	vmul.f32 $-4.084799960e+01, v0  }
0x6f: {  	(erf) = vrcp.f32 v1;
	v1 =	vmul.f32 v5, v3;
	v3 =	vpop (erf)  }
0x70: {  	v8 =	vsub.f32 $0.0e+00, v11;
	v3 =	vmul.f32 v3, v0  }
0x71: {  	v2 =	vsub.f32 $0.0e+00, v2  }
0x72: {  	v5 =	vsub.f32 $0.0e+00, v13;
	v3 =	vadd.f32 $0.0e+00, v3  }
0x73: {  	v2 =	vmul.f32 $1.442695020e+00, v2;
	v4 =	vsub.f32 $0.0e+00, v4;
	(erf) = vrcp.f32 v1;
	v0 =	vpop (erf)  }
0x74: {  	v10 =	vmul.f32 $1.442695020e+00, v5;
	v5 =	vmul.f32 $1.442695020e+00, v8;
	v8 =	vpop (erf)  }
0x75: {  	s18 =	simm.s32 $0x60;
	v11 =	vmul.f32 $1.442695020e+00, v4;
	(erf) = vpow2.f32 v2;
	v14 =	vadd.f32 $1.000000000e+00, v0;
	v1 =	vpop (erf)  }
0x76: {  	v4 =	vld [tilespmem:s18+$0x600];
	(erf) = vpow2.f32 v5;
	v13 =	vmul.f32 $1.442695020e+00, v3;
	v3 =	vpop (erf)  }
0x77: {  	v5 =	vld [tilespmem:s31+$0xA00];
	(erf) = vpow2.f32 v10;
	v15 =	vadd.f32 $1.000000000e+00, v1;
	v2 =	vpop (erf);
	v3 =	vadd.f32 $1.000000000e+00, v3  }
0x78: {  	(erf) = vpow2.f32 v13;
	v13 =	vadd.f32 v7, v6;
	v7 =	vld [tilespmem:s18+$0x400];
	v16 =	vadd.f32 $1.000000000e+00, v2  }
0x79: {  	v10 =	vsub.f32 v12, v9;
	v6 =	vld [tilespmem:s18+$0x800];
	(erf) = vpow2.f32 v11;
	v9 =	vmul.f32 v3, v14;
	v14 =	vpop (erf)  }
0x7a: {  	s19 =	simm.s32 $0x1C0;
	v11 =	vadd.f32 $1.000000000e+00, v8;
	v12 =	vmul.f32 v16, v15;
	v8 =	vmul.f32 v14, v13  }
.LBB2_2:
0x7b: {  	p0 =	sne.s32 s19, $0x3C0;
	v13 =	vmul.f32 $-4.084799960e+01, v10;
	(erf) = vrcp.f32 v9;
	v9 =	vmov v3  }
0x7c: {  	v5 =	vsub.f32 $0.0e+00, v5;
	v3 =	vmul.f32 v12, v11;
	v11 =	vpop (erf);
	[tilespmem:s16+$0xC00] =	vst v8;
	s16 =	smov.u32 s0;
	s0 =	smov.u32 s5;
	s5 =	smov.u32 s31  }
0x7d: {  	v4 =	vsub.f32 $0.0e+00, v4;
	s31 =	smov.u32 s15;
	s15 =	smov.u32 s17;
	s17 =	smov.u32 s18;
	v7 =	vsub.f32 $0.0e+00, v7;
	v8 =	vmul.f32 v11, v13  }
0x7e: {  	v14 =	vmul.f32 $1.442695020e+00, v5;
	v6 =	vsub.f32 $0.0e+00, v6;
	(erf) = vrcp.f32 v3;
	v10 =	vpop (erf)  }
0x7f: {  	v4 =	vmul.f32 $1.442695020e+00, v4;
	v7 =	vmul.f32 $1.442695020e+00, v7;
	v11 =	vpop (erf);
	v8 =	vadd.f32 $0.0e+00, v8  }
0x80: {  	v12 =	vmul.f32 $1.442695020e+00, v6;
	v13 =	vpop (erf);
	(erf) = vpow2.f32 v14  }
.Ltmp0:
0x81: {  	s18 =	sshra.s32 s19, $0x2;
	(erf) = vpow2.f32 v4;
	v5 =	vld [tilespmem:s31+$0xA00];
	v6 =	vmul.f32 $1.442695020e+00, v8;
	v8 =	vadd.f32 $1.000000000e+00, v10;
	v3 =	vpop (erf);
	(pc) =	sbr.rel @p0 .LBB2_2-.Ltmp0, $4  }
0x82: {  	v14 =	vadd.f32 $1.000000000e+00, v13;
	v4 =	vld [tilespmem:s18+$0x600];
	(erf) = vpow2.f32 v7;
	v15 =	vpop (erf);
	v3 =	vadd.f32 $1.000000000e+00, v3  }
0x83: {  	v17 =	vadd.f32 v9, v0;
	v0 =	vmovc v10;
	v7 =	vld [tilespmem:s18+$0x400];
	v16 =	vadd.f32 $1.000000000e+00, v15;
	(erf) = vpow2.f32 v6  }
0x84: {  	v10 =	vsub.f32 v2, v1;
	v6 =	vld [tilespmem:s18+$0x800];
	(erf) = vpow2.f32 v12;
	v9 =	vmul.f32 v3, v8;
	v1 =	vpop (erf)  }
0x85: {  	s19 =	sadd.s32 $0x40, s19;
	v11 =	vadd.f32 $1.000000000e+00, v11;
	v2 =	vmovc v15;
	v12 =	vmul.f32 v16, v14;
	v8 =	vmul.f32 v1, v17;
	v1 =	vmovc v13  }
0x86: {  	v10 =	vmul.f32 $-4.084799960e+01, v10  }
0x87: {  	v5 =	vsub.f32 $0.0e+00, v5;
	v13 =	vpop (erf)  }
0x88: {  	v11 =	vmul.f32 v12, v11;
	v4 =	vsub.f32 $0.0e+00, v4;
	v10 =	vmul.f32 v13, v10  }
0x89: {  	(erf) = vrcp.f32 v9;
	v7 =	vsub.f32 $0.0e+00, v7;
	v5 =	vmul.f32 $1.442695020e+00, v5  }
0x8a: {  	(erf) = vrcp.f32 v11;
	v4 =	vmul.f32 $1.442695020e+00, v4;
	v9 =	vadd.f32 $0.0e+00, v10  }
0x8b: {  	v6 =	vsub.f32 $0.0e+00, v6;
	v7 =	vmul.f32 $1.442695020e+00, v7;
	(erf) = vpow2.f32 v5  }
0x8c: {  	(erf) = vpow2.f32 v4;
	v4 =	vmul.f32 $1.442695020e+00, v9  }
0x8d: {  	v6 =	vmul.f32 $1.442695020e+00, v6  }
0x8e: {  	v5 =	vpop (erf)  }
0x8f: {  	(erf) = vpow2.f32 v7;
	v7 =	vpop (erf)  }
0x90: {  	(erf) = vpow2.f32 v4;
	v4 =	vpop (erf)  }
0x91: {  	(erf) = vpow2.f32 v6;
	v6 =	vpop (erf)  }
0x92: {  	v1 =	vsub.f32 v2, v1;
	[tilespmem:s16+$0xC00] =	vst v8;
	v9 =	vpop (erf)  }
0x93: {  	v8 =	vld [tilespmem:s15+$0xA00];
	v10 =	vadd.f32 $1.000000000e+00, v4;
	v11 =	vadd.f32 $1.000000000e+00, v9  }
0x94: {  	v13 =	vadd.f32 $1.000000000e+00, v5;
	v6 =	vadd.f32 $1.000000000e+00, v6;
	v2 =	vpop (erf)  }
0x95: {  	v12 =	vpop (erf);
	v10 =	vmul.f32 v11, v10  }
0x96: {  	v1 =	vmul.f32 $-4.084799960e+01, v1;
	v13 =	vmul.f32 v6, v13;
	v14 =	vpop (erf)  }
0x97: {  	v7 =	vadd.f32 $1.000000000e+00, v7;
	v11 =	vpop (erf)  }
0x98: {  	v8 =	vsub.f32 $0.0e+00, v8;
	v1 =	vmul.f32 v12, v1;
	v12 =	vpop (erf)  }
0x99: {  	v7 =	vmul.f32 v10, v7;
	(erf) = vrcp.f32 v13;
	v10 =	vpop (erf)  }
0x9a: {  	v0 =	vadd.f32 v3, v0;
	v8 =	vmul.f32 $1.442695020e+00, v8;
	v1 =	vadd.f32 $0.0e+00, v1;
	v13 =	vpop (erf)  }
0x9b: {  	(erf) = vrcp.f32 v7;
	v7 =	vadd.f32 $1.000000000e+00, v12;
	v15 =	vadd.f32 $1.000000000e+00, v13  }
0x9c: {  	v0 =	vmul.f32 v2, v0;
	v16 =	vadd.f32 $1.000000000e+00, v14;
	v10 =	vadd.f32 $1.000000000e+00, v10  }
0x9d: {  	v11 =	vadd.f32 $1.000000000e+00, v11;
	v1 =	vmul.f32 $1.442695020e+00, v1;
	v7 =	vmul.f32 v15, v7  }
0x9e: {  	(erf) = vpow2.f32 v8;
	v3 =	vmul.f32 v10, v16  }
0x9f: {  	(erf) = vpow2.f32 v1;
	v1 =	vmul.f32 v7, v11  }
0xa0: {  	(erf) = vrcp.f32 v3  }
0xa1: {  	[tilespmem:s0+$0xC00] =	vst v0;
	v0 =	vadd.f32 v6, v5;
	(erf) = vrcp.f32 v1  }
0xa2: {  	v3 =	vsub.f32 v9, v4;
	v2 =	vpop (erf)  }
0xa3: {  	v0 =	vmul.f32 v2, v0  }
0xa4: {  	v1 =	vld [tilespmem:s17+$0xA00];
	_ =	sdelay $0x1  }
0xa5: {  	v2 =	vmul.f32 $-4.084799960e+01, v3;
	v3 =	vpop (erf);
	[tilespmem:s5+$0xC00] =	vst v0  }
0xa6: {  	v5 =	vsub.f32 v13, v12;
	v4 =	vld [tilespmem:s18+$0xA00];
	v0 =	vpop (erf)  }
0xa7: {  	v2 =	vmul.f32 v3, v2;
	v3 =	vpop (erf)  }
0xa8: {  	v5 =	vmul.f32 $-4.084799960e+01, v5;
	v1 =	vsub.f32 $0.0e+00, v1;
	v6 =	vpop (erf)  }
0xa9: {  	v2 =	vadd.f32 $0.0e+00, v2;
	v8 =	vadd.f32 $1.000000000e+00, v0;
	v7 =	vpop (erf)  }
0xaa: {  	v1 =	vmul.f32 $1.442695020e+00, v1;
	v3 =	vadd.f32 $1.000000000e+00, v3;
	v5 =	vmul.f32 v7, v5  }
0xab: {  	v2 =	vmul.f32 $1.442695020e+00, v2;
	v4 =	vsub.f32 $0.0e+00, v4  }
0xac: {  	(erf) = vpow2.f32 v1;
	v1 =	vmul.f32 v3, v8;
	v5 =	vadd.f32 $0.0e+00, v5  }
0xad: {  	(erf) = vpow2.f32 v2;
	v2 =	vmul.f32 $1.442695020e+00, v4  }
0xae: {  	(erf) = vrcp.f32 v1;
	v1 =	vmul.f32 $1.442695020e+00, v5  }
0xaf: {  	(erf) = vpow2.f32 v2  }
0xb0: {  	(erf) = vpow2.f32 v1;
	_ =	sdelay $0x4  }
0xb1: {  	v1 =	vpop (erf)  }
0xb2: {  	v2 =	vpop (erf)  }
0xb3: {  	v4 =	vpop (erf)  }
0xb4: {  	v5 =	vpop (erf)  }
0xb5: {  	v7 =	vadd.f32 $1.000000000e+00, v1;
	v2 =	vadd.f32 $1.000000000e+00, v2;
	v8 =	vpop (erf)  }
0xb6: {  	v9 =	vadd.f32 $1.000000000e+00, v5;
	v8 =	vadd.f32 $1.000000000e+00, v8  }
0xb7: {  	v7 =	vmul.f32 v2, v7  }
0xb8: {  	v9 =	vmul.f32 v8, v9  }
0xb9: {  	(erf) = vrcp.f32 v7  }
0xba: {  	(erf) = vrcp.f32 v9;
	_ =	sdelay $0x4  }
0xbb: {  	v7 =	vadd.f32 v10, v14  }
0xbc: {  	v0 =	vadd.f32 v3, v0  }
0xbd: {  	v1 =	vadd.f32 v2, v1;
	v3 =	vmul.f32 v6, v7  }
0xbe: {  	v0 =	vmul.f32 v4, v0;
	v4 =	vadd.f32 v8, v5;
	v2 =	vpop (erf)  }
0xbf: {  	[tilespmem:s31+$0xC00] =	vst v3;
	v1 =	vmul.f32 v2, v1;
	v2 =	vpop (erf)  }
0xc0: {  	[tilespmem:s15+$0xC00] =	vst v0;
	v0 =	vmul.f32 v2, v4  }
0xc1: {  	[tilespmem:s17+$0xC00] =	vst v1  }
0xc2: {  	s19 =	simm.s32 $0x0;
	[tilespmem:s18+$0xC00] =	vst v0  }
0xc3: {  	[hbm4b:s8+s19] =	stream.linear.scatter [tilespmem:s25], [sflag:$0x4], $0x100, $0x38;
	[tilespmem:$0xE00] =	vst v63  }
0xc4: {  	_ =	swait.ge [sflag:s26], $0x100  }
0xc5: {  	[sflag:s26] =	ssyncset.done $0x0  }
0xc6: {  	[sflag:s26] =	ssyncadd.s32 $0xFFFFFF00  }
0xc7: {  	_ =	swait.ge [sflag:s26], $0x100  }
0xc8: {  	[sflag:s26] =	ssyncset.done $0x0  }
0xc9: {  	[sflag:s26] =	ssyncadd.s32 $0xFFFFFF00  }
0xca: {  	_ =	swait.ge [sflag:s26], $0x100  }
0xcb: {  	[sflag:s26] =	ssyncset.done $0x0  }
0xcc: {  	[sflag:s26] =	ssyncadd.s32 $0xFFFFFF00  }
0xcd: {  	_ =	swait.ge [sflag:s26], $0x100  }
0xce: {  	[sflag:s26] =	ssyncset.done $0x0  }
0xcf: {  	s16 =	simm.s32 $0x0;
	[sflag:s26] =	ssyncadd.s32 $0xFFFFFF00  }
0xd0: {  	v0 =	vld [tilespmem:s16+$0x700]  }
0xd1: {  	v1 =	vld [tilespmem:s16+$0x500]  }
0xd2: {  	v2 =	vld [tilespmem:s16+$0x900];
	_ =	sdelay $0x2  }
0xd3: {  	v0 =	vsub.f32 $0.0e+00, v0  }
0xd4: {  	v1 =	vsub.f32 $0.0e+00, v1  }
0xd5: {  	v2 =	vsub.f32 $0.0e+00, v2;
	v0 =	vmul.f32 $1.442695020e+00, v0  }
0xd6: {  	s0 =	simm.s32 $0x10;
	v1 =	vmul.f32 $1.442695020e+00, v1  }
0xd7: {  	v2 =	vmul.f32 $1.442695020e+00, v2;
	(erf) = vpow2.f32 v0;
	v0 =	vld [tilespmem:s0+$0x700]  }
0xd8: {  	(erf) = vpow2.f32 v1  }
0xd9: {  	(erf) = vpow2.f32 v2  }
0xda: {  	v1 =	vld [tilespmem:s0+$0x500]  }
0xdb: {  	v2 =	vld [tilespmem:s0+$0x900]  }
0xdc: {  	v0 =	vsub.f32 $0.0e+00, v0;
	_ =	sdelay $0x1  }
0xdd: {  	v0 =	vmul.f32 $1.442695020e+00, v0  }
0xde: {  	v1 =	vsub.f32 $0.0e+00, v1  }
0xdf: {  	v2 =	vsub.f32 $0.0e+00, v2;
	v3 =	vpop (erf)  }
0xe0: {  	v1 =	vmul.f32 $1.442695020e+00, v1;
	v4 =	vpop (erf)  }
0xe1: {  	v2 =	vmul.f32 $1.442695020e+00, v2;
	(erf) = vpow2.f32 v0;
	v0 =	vpop (erf)  }
0xe2: {  	s5 =	simm.s32 $0x20;
	(erf) = vpow2.f32 v1;
	v1 =	vadd.f32 $1.000000000e+00, v4;
	v5 =	vadd.f32 $1.000000000e+00, v0  }
0xe3: {  	v6 =	vld [tilespmem:s5+$0x700];
	(erf) = vpow2.f32 v2  }
0xe4: {  	v3 =	vadd.f32 $1.000000000e+00, v3;
	v2 =	vld [tilespmem:s5+$0x500];
	v1 =	vmul.f32 v5, v1  }
0xe5: {  	v5 =	vld [tilespmem:s5+$0x900]  }
0xe6: {  	v1 =	vmul.f32 v1, v3;
	_ =	sdelay $0x1  }
0xe7: {  	v3 =	vsub.f32 $0.0e+00, v6;
	(erf) = vrcp.f32 v1  }
0xe8: {  	v1 =	vsub.f32 $0.0e+00, v2  }
0xe9: {  	s31 =	simm.s32 $0x30;
	v3 =	vmul.f32 $1.442695020e+00, v3;
	v2 =	vsub.f32 $0.0e+00, v5;
	v5 =	vpop (erf)  }
0xea: {  	v8 =	vld [tilespmem:s31+$0x700];
	v1 =	vmul.f32 $1.442695020e+00, v1;
	v6 =	vpop (erf)  }
0xeb: {  	(erf) = vpow2.f32 v3;
	v3 =	vld [tilespmem:s16+$0xB00];
	v2 =	vmul.f32 $1.442695020e+00, v2;
	v7 =	vpop (erf)  }
0xec: {  	v10 =	vld [tilespmem:s31+$0x500];
	(erf) = vpow2.f32 v1;
	v1 =	vadd.f32 $1.000000000e+00, v6;
	v9 =	vadd.f32 $1.000000000e+00, v7  }
0xed: {  	v0 =	vsub.f32 v0, v4  }
0xee: {  	(erf) = vpow2.f32 v2;
	v2 =	vadd.f32 $1.000000000e+00, v5;
	v1 =	vmul.f32 v9, v1  }
0xef: {  	v0 =	vmul.f32 $-4.084799960e+01, v0  }
0xf0: {  	v1 =	vmul.f32 v1, v2;
	v2 =	vsub.f32 $0.0e+00, v3;
	v3 =	vpop (erf)  }
0xf1: {  	v4 =	vld [tilespmem:s31+$0x900];
	v5 =	vsub.f32 $0.0e+00, v8;
	v0 =	vmul.f32 v3, v0;
	v3 =	vsub.f32 $0.0e+00, v10  }
0xf2: {  	(erf) = vrcp.f32 v1;
	v1 =	vmul.f32 $1.442695020e+00, v2  }
0xf3: {  	v3 =	vmul.f32 $1.442695020e+00, v3  }
0xf4: {  	v2 =	vmul.f32 $1.442695020e+00, v5  }
0xf5: {  	v5 =	vpop (erf);
	v0 =	vadd.f32 $0.0e+00, v0;
	(erf) = vpow2.f32 v1  }
0xf6: {  	s15 =	simm.s32 $0x40;
	v4 =	vsub.f32 $0.0e+00, v4;
	(erf) = vpow2.f32 v2;
	v1 =	vpop (erf)  }
0xf7: {  	v10 =	vld [tilespmem:s15+$0x500];
	v0 =	vmul.f32 $1.442695020e+00, v0;
	(erf) = vpow2.f32 v3;
	v3 =	vpop (erf)  }
0xf8: {  	v4 =	vmul.f32 $1.442695020e+00, v4;
	v8 =	vld [tilespmem:s15+$0x700];
	v9 =	vadd.f32 $1.000000000e+00, v1;
	v11 =	vadd.f32 $1.000000000e+00, v3  }
0xf9: {  	v5 =	vadd.f32 $1.000000000e+00, v5;
	v2 =	vld [tilespmem:s0+$0xB00];
	(erf) = vpow2.f32 v0  }
0xfa: {  	(erf) = vpow2.f32 v4;
	v4 =	vsub.f32 v7, v6;
	v6 =	vmul.f32 v11, v9  }
0xfb: {  	v0 =	vld [tilespmem:s15+$0x900]  }
0xfc: {  	v7 =	vsub.f32 $0.0e+00, v10;
	v5 =	vmul.f32 v6, v5  }
0xfd: {  	v8 =	vsub.f32 $0.0e+00, v8;
	v4 =	vmul.f32 $-4.084799960e+01, v4  }
0xfe: {  	v2 =	vsub.f32 $0.0e+00, v2;
	v6 =	vpop (erf);
	(erf) = vrcp.f32 v5;
	v5 =	vmul.f32 $1.442695020e+00, v7  }
0xff: {  	v7 =	vmul.f32 $1.442695020e+00, v8;
	v4 =	vmul.f32 v6, v4  }
0x100: {  	v2 =	vmul.f32 $1.442695020e+00, v2;
	v0 =	vsub.f32 $0.0e+00, v0;
	v6 =	vpop (erf)  }
0x101: {  	v8 =	vpop (erf);
	v4 =	vadd.f32 $0.0e+00, v4  }
0x102: {  	v0 =	vmul.f32 $1.442695020e+00, v0;
	(erf) = vpow2.f32 v2;
	v9 =	vpop (erf)  }
0x103: {  	(erf) = vpow2.f32 v7;
	v7 =	vpop (erf);
	v4 =	vmul.f32 $1.442695020e+00, v4  }
0x104: {  	v10 =	vadd.f32 $1.000000000e+00, v6;
	(erf) = vpow2.f32 v5;
	v5 =	vadd.f32 $1.000000000e+00, v9;
	v12 =	vpop (erf)  }
0x105: {  	s17 =	simm.s32 $0x50;
	v7 =	vadd.f32 $1.000000000e+00, v7;
	v14 =	vadd.f32 $1.000000000e+00, v12;
	(erf) = vpow2.f32 v4  }
0x106: {  	v11 =	vld [tilespmem:s17+$0x700];
	(erf) = vpow2.f32 v0;
	v0 =	vsub.f32 v3, v1;
	v3 =	vadd.f32 $1.000000000e+00, v8  }
0x107: {  	v2 =	vld [tilespmem:s5+$0xB00]  }
0x108: {  	v13 =	vld [tilespmem:s17+$0x500];
	v1 =	vmul.f32 v7, v10;
	v5 =	vmul.f32 v14, v5  }
0x109: {  	v4 =	vld [tilespmem:s17+$0x900];
	v0 =	vmul.f32 $-4.084799960e+01, v0  }
0x10a: {  	(erf) = vrcp.f32 v1;
	v1 =	vmul.f32 v5, v3;
	v3 =	vpop (erf)  }
0x10b: {  	v8 =	vsub.f32 $0.0e+00, v11;
	v3 =	vmul.f32 v3, v0  }
0x10c: {  	v2 =	vsub.f32 $0.0e+00, v2  }
0x10d: {  	v5 =	vsub.f32 $0.0e+00, v13;
	v3 =	vadd.f32 $0.0e+00, v3  }
0x10e: {  	v2 =	vmul.f32 $1.442695020e+00, v2;
	v4 =	vsub.f32 $0.0e+00, v4;
	(erf) = vrcp.f32 v1;
	v0 =	vpop (erf)  }
0x10f: {  	v10 =	vmul.f32 $1.442695020e+00, v5;
	v5 =	vmul.f32 $1.442695020e+00, v8;
	v8 =	vpop (erf)  }
0x110: {  	s18 =	simm.s32 $0x60;
	v11 =	vmul.f32 $1.442695020e+00, v4;
	(erf) = vpow2.f32 v2;
	v14 =	vadd.f32 $1.000000000e+00, v0;
	v1 =	vpop (erf)  }
0x111: {  	v4 =	vld [tilespmem:s18+$0x700];
	(erf) = vpow2.f32 v5;
	v13 =	vmul.f32 $1.442695020e+00, v3;
	v3 =	vpop (erf)  }
0x112: {  	v5 =	vld [tilespmem:s31+$0xB00];
	(erf) = vpow2.f32 v10;
	v15 =	vadd.f32 $1.000000000e+00, v1;
	v2 =	vpop (erf);
	v3 =	vadd.f32 $1.000000000e+00, v3  }
0x113: {  	(erf) = vpow2.f32 v13;
	v13 =	vadd.f32 v7, v6;
	v7 =	vld [tilespmem:s18+$0x500];
	v63 =	vadd.f32 $1.000000000e+00, v2  }
0x114: {  	v10 =	vsub.f32 v12, v9;
	v6 =	vld [tilespmem:s18+$0x900];
	(erf) = vpow2.f32 v11;
	v9 =	vmul.f32 v3, v14;
	v14 =	vpop (erf)  }
0x115: {  	s19 =	simm.s32 $0x1C0;
	v11 =	vadd.f32 $1.000000000e+00, v8;
	v12 =	vmul.f32 v63, v15;
	v8 =	vmul.f32 v14, v13  }
.LBB2_4:
0x116: {  	p0 =	sne.s32 s19, $0x3C0;
	v13 =	vmul.f32 $-4.084799960e+01, v10;
	(erf) = vrcp.f32 v9;
	v9 =	vmov v3  }
0x117: {  	v5 =	vsub.f32 $0.0e+00, v5;
	v3 =	vmul.f32 v12, v11;
	v11 =	vpop (erf);
	[tilespmem:s16+$0xD00] =	vst v8;
	s16 =	smov.u32 s0;
	s0 =	smov.u32 s5;
	s5 =	smov.u32 s31  }
0x118: {  	v4 =	vsub.f32 $0.0e+00, v4;
	s31 =	smov.u32 s15;
	s15 =	smov.u32 s17;
	s17 =	smov.u32 s18;
	v7 =	vsub.f32 $0.0e+00, v7;
	v8 =	vmul.f32 v11, v13  }
0x119: {  	v14 =	vmul.f32 $1.442695020e+00, v5;
	v6 =	vsub.f32 $0.0e+00, v6;
	(erf) = vrcp.f32 v3;
	v10 =	vpop (erf)  }
0x11a: {  	v4 =	vmul.f32 $1.442695020e+00, v4;
	v7 =	vmul.f32 $1.442695020e+00, v7;
	v11 =	vpop (erf);
	v8 =	vadd.f32 $0.0e+00, v8  }
0x11b: {  	v12 =	vmul.f32 $1.442695020e+00, v6;
	v13 =	vpop (erf);
	(erf) = vpow2.f32 v14  }
.Ltmp1:
0x11c: {  	s18 =	sshra.s32 s19, $0x2;
	(erf) = vpow2.f32 v4;
	v5 =	vld [tilespmem:s31+$0xB00];
	v6 =	vmul.f32 $1.442695020e+00, v8;
	v8 =	vadd.f32 $1.000000000e+00, v10;
	v3 =	vpop (erf);
	(pc) =	sbr.rel @p0 .LBB2_4-.Ltmp1, $4  }
0x11d: {  	v14 =	vadd.f32 $1.000000000e+00, v13;
	v4 =	vld [tilespmem:s18+$0x700];
	(erf) = vpow2.f32 v7;
	v15 =	vpop (erf);
	v3 =	vadd.f32 $1.000000000e+00, v3  }
0x11e: {  	v17 =	vadd.f32 v9, v0;
	v0 =	vmovc v10;
	v7 =	vld [tilespmem:s18+$0x500];
	v16 =	vadd.f32 $1.000000000e+00, v15;
	(erf) = vpow2.f32 v6  }
0x11f: {  	v10 =	vsub.f32 v2, v1;
	v6 =	vld [tilespmem:s18+$0x900];
	(erf) = vpow2.f32 v12;
	v9 =	vmul.f32 v3, v8;
	v1 =	vpop (erf)  }
0x120: {  	s19 =	sadd.s32 $0x40, s19;
	v11 =	vadd.f32 $1.000000000e+00, v11;
	v2 =	vmovc v15;
	v12 =	vmul.f32 v16, v14;
	v8 =	vmul.f32 v1, v17;
	v1 =	vmovc v13  }
0x121: {  	v10 =	vmul.f32 $-4.084799960e+01, v10  }
0x122: {  	v5 =	vsub.f32 $0.0e+00, v5;
	v13 =	vpop (erf)  }
0x123: {  	v11 =	vmul.f32 v12, v11;
	v4 =	vsub.f32 $0.0e+00, v4;
	v10 =	vmul.f32 v13, v10  }
0x124: {  	(erf) = vrcp.f32 v9;
	v7 =	vsub.f32 $0.0e+00, v7;
	v5 =	vmul.f32 $1.442695020e+00, v5  }
0x125: {  	(erf) = vrcp.f32 v11;
	v4 =	vmul.f32 $1.442695020e+00, v4;
	v61 =	vadd.f32 $0.0e+00, v10  }
0x126: {  	v6 =	vsub.f32 $0.0e+00, v6;
	v7 =	vmul.f32 $1.442695020e+00, v7;
	(erf) = vpow2.f32 v5  }
0x127: {  	(erf) = vpow2.f32 v4;
	v62 =	vmul.f32 $1.442695020e+00, v61  }
0x128: {  	v63 =	vpop (erf);
	v6 =	vmul.f32 $1.442695020e+00, v6;
	(erf) = vpow2.f32 v7  }
0x129: {  	v19 =	vpop (erf);
	(erf) = vpow2.f32 v62  }
0x12a: {  	v20 =	vpop (erf);
	(erf) = vpow2.f32 v6  }
0x12b: {  	[tilespmem:s16+$0xD00] =	vst v8;
	v21 =	vpop (erf)  }
0x12c: {  	v8 =	vld [tilespmem:s15+$0xB00];
	v22 =	vpop (erf)  }
0x12d: {  	v1 =	vsub.f32 v2, v1;
	v23 =	vpop (erf)  }
0x12e: {  	v26 =	vpop (erf)  }
0x12f: {  	v1 =	vmul.f32 $-4.084799960e+01, v1;
	v27 =	vadd.f32 $1.000000000e+00, v63;
	v6 =	vadd.f32 $1.000000000e+00, v21;
	v14 =	vpop (erf)  }
0x130: {  	v24 =	vadd.f32 $1.000000000e+00, v20;
	v25 =	vadd.f32 $1.000000000e+00, v22;
	v28 =	vpop (erf)  }
0x131: {  	v8 =	vsub.f32 $0.0e+00, v8;
	v13 =	vmul.f32 v6, v27;
	v1 =	vmul.f32 v26, v1;
	v29 =	vpop (erf)  }
0x132: {  	v7 =	vadd.f32 $1.000000000e+00, v19;
	v10 =	vmul.f32 v25, v24;
	v30 =	vpop (erf)  }
0x133: {  	v8 =	vmul.f32 $1.442695020e+00, v8;
	v1 =	vadd.f32 $0.0e+00, v1;
	(erf) = vrcp.f32 v13;
	v31 =	vpop (erf)  }
0x134: {  	v7 =	vmul.f32 v10, v7;
	v32 =	vadd.f32 $1.000000000e+00, v29;
	v15 =	vadd.f32 $1.000000000e+00, v31  }
0x135: {  	v16 =	vadd.f32 $1.000000000e+00, v14;
	v1 =	vmul.f32 $1.442695020e+00, v1;
	v10 =	vadd.f32 $1.000000000e+00, v30  }
0x136: {  	v11 =	vadd.f32 $1.000000000e+00, v28;
	(erf) = vrcp.f32 v7;
	v7 =	vmul.f32 v15, v32  }
0x137: {  	v0 =	vadd.f32 v3, v0;
	(erf) = vpow2.f32 v8;
	v33 =	vmul.f32 v10, v16  }
0x138: {  	(erf) = vpow2.f32 v1;
	v34 =	vmul.f32 v7, v11  }
0x139: {  	v0 =	vmul.f32 v23, v0;
	(erf) = vrcp.f32 v33  }
0x13a: {  	(erf) = vrcp.f32 v34  }
0x13b: {  	v35 =	vadd.f32 v6, v63;
	[tilespmem:s0+$0xD00] =	vst v0  }
0x13c: {  	v36 =	vld [tilespmem:s17+$0xB00];
	v37 =	vpop (erf)  }
0x13d: {  	v38 =	vsub.f32 v22, v20;
	v0 =	vmul.f32 v37, v35;
	_ =	sdelay $0x1  }
0x13e: {  	v39 =	vmul.f32 $-4.084799960e+01, v38;
	v40 =	vpop (erf);
	[tilespmem:s5+$0xD00] =	vst v0  }
0x13f: {  	v43 =	vsub.f32 v31, v29;
	v41 =	vpop (erf);
	v42 =	vld [tilespmem:s18+$0xB00]  }
0x140: {  	v1 =	vsub.f32 $0.0e+00, v36;
	v2 =	vmul.f32 v40, v39;
	v44 =	vpop (erf)  }
0x141: {  	v5 =	vmul.f32 $-4.084799960e+01, v43;
	v45 =	vpop (erf)  }
0x142: {  	v1 =	vmul.f32 $1.442695020e+00, v1;
	v2 =	vadd.f32 $0.0e+00, v2;
	v46 =	vpop (erf)  }
0x143: {  	v47 =	vadd.f32 $1.000000000e+00, v41;
	v3 =	vadd.f32 $1.000000000e+00, v44;
	v5 =	vmul.f32 v46, v5  }
0x144: {  	v2 =	vmul.f32 $1.442695020e+00, v2;
	v4 =	vsub.f32 $0.0e+00, v42  }
0x145: {  	(erf) = vpow2.f32 v1;
	v48 =	vmul.f32 v3, v47;
	v5 =	vadd.f32 $0.0e+00, v5  }
0x146: {  	(erf) = vpow2.f32 v2;
	v49 =	vmul.f32 $1.442695020e+00, v4  }
0x147: {  	(erf) = vrcp.f32 v48;
	v50 =	vmul.f32 $1.442695020e+00, v5  }
0x148: {  	(erf) = vpow2.f32 v49  }
0x149: {  	(erf) = vpow2.f32 v50;
	_ =	sdelay $0x4  }
0x14a: {  	v51 =	vpop (erf)  }
0x14b: {  	v52 =	vpop (erf)  }
0x14c: {  	v53 =	vpop (erf)  }
0x14d: {  	v54 =	vpop (erf)  }
0x14e: {  	v55 =	vadd.f32 $1.000000000e+00, v51;
	v2 =	vadd.f32 $1.000000000e+00, v52;
	v56 =	vpop (erf)  }
0x14f: {  	v57 =	vadd.f32 $1.000000000e+00, v54;
	v8 =	vadd.f32 $1.000000000e+00, v56  }
0x150: {  	v7 =	vmul.f32 v2, v55  }
0x151: {  	v9 =	vmul.f32 v8, v57  }
0x152: {  	(erf) = vrcp.f32 v7  }
0x153: {  	(erf) = vrcp.f32 v9;
	_ =	sdelay $0x4  }
0x154: {  	v58 =	vadd.f32 v10, v14  }
0x155: {  	v0 =	vadd.f32 v3, v41  }
0x156: {  	v59 =	vmul.f32 v45, v58;
	v1 =	vadd.f32 v2, v51  }
0x157: {  	v0 =	vmul.f32 v53, v0;
	v61 =	vadd.f32 v8, v54;
	v60 =	vpop (erf)  }
0x158: {  	[tilespmem:s31+$0xD00] =	vst v59;
	v1 =	vmul.f32 v60, v1;
	v62 =	vpop (erf)  }
0x159: {  	[tilespmem:s15+$0xD00] =	vst v0;
	v63 =	vmul.f32 v62, v61  }
0x15a: {  	[tilespmem:s17+$0xD00] =	vst v1  }
0x15b: {  	s30 =	sadd.s32 $0x1, s30;
	[tilespmem:s18+$0xD00] =	vst v63  }
0x15c: {  	[hbm4b:s10+s6] =	stream.linear.scatter [tilespmem:s28], [sflag:$0x4], $0x100, $0x38;
	[tilespmem:$0xE00] =	vst v63  }
0x15d: {  	p0 =	sne.s32 s30, s11;
	_ =	swait.ge [sflag:s29], $0x100  }
.Ltmp2:
0x15e: {  	[sflag:s29] =	ssyncset.done $0x0;
	(pc) =	sbr.rel @p0 .LBB2_1-.Ltmp2, $4  }
0x15f: {  	[sflag:s29] =	ssyncadd.s32 $0xFFFFFF00  }
0x160: {  	_ =	swait.ge [sflag:s29], $0x100  }
0x161: {  	[sflag:s29] =	ssyncset.done $0x0  }
0x162: {  	[sflag:s29] =	ssyncadd.s32 $0xFFFFFF00  }
0x163: {  	_ =	sfence.sel $0x180000  }
0x164: {  	[bflag:$0x0] =	sbarrier.arrive $0xFFFF  }
0x165: {  	_ =	strace $0x90000047  }
0x166: {  	s0 =	stileid.u32;
	[bflag:$0x2] =	sbarrier.arrive $0xFFFF  }
0x167: {  	p0 =	sne.s32 s0, $0x0;
	s0 =	rddreg [dreg:$0x7]  }
0x168: {  	s0 =	sadd.s32 @!p0 $0x100000, s0  }
0x169: {  	[sflag:s0] =	ssyncadd.tile.s32 @!p0 $0x1;
	_ =	shalt  }
.Lfunc_end2:
_tile_overlayer_lowered:
.L_overlay_start_2:
0x16a: {  	(tag) =	ssettag $0x2  }
0x16b: {  	s0 =	rddreg [dreg:$0x0];
	s2 =	stileid.u32  }
0x16c: {  	s1 =	rddreg [dreg:$0x1];
	p0 =	sne.s32 s2, $0x0  }
0x16d: {  	s3 =	rddreg [dreg:$0x2];
	[bflag:$0x3] =	sbarrier.arrive $0xFFFF;
	s2 =	simm.s32 @!p0 $0x1C05  }
0x16e: {  	[timem:s3], [sflag:s2] =	dma.local @!p0 [hbm:s0], s1  }
0x16f: {  	s0 =	simm.s32 @!p0 $0x5  }
0x170: {  	_ =	swait.ge @!p0 [sflag:s0], s1  }
0x171: {  	s1 =	ssub.s32 @!p0 $0x0, s1;
	[sflag:s0] =	ssyncset.done @!p0 $0x0  }
0x172: {  	[sflag:s0] =	ssyncadd.s32 @!p0 s1  }
0x173: {  	[bflag:$0x3] =	sbarrier.arrive $0xFFFF  }
0x174: {  	_ =	shalt  }

</sc_bundles>
